<compile_context>
chip_gen: v7x
topology: tpu7x:2x2x1
jax: 0.10.2.dev20260603
libtpu: 0.0.44.dev20260713+nightly
codegen_flags: <defaults>
</compile_context>

<pallas_src>
import functools
import jax
import jax.numpy as jnp
from jax import lax
from jax.experimental import pallas as pl
from jax.experimental.pallas import tpu as pltpu
from jax.experimental.pallas import tpu_sc as plsc

N = 10000
E = 320000
D = 128
DE = 16
G = 64
H = 128
O = 128
DU = 128

NC = 2
NS = 16
NW = NC * NS

CHUNK = 256
NCHUNK = E // CHUNK
KMAX = (NCHUNK + NW - 1) // NW
NPCH = KMAX * NW
EPAD = NPCH * CHUNK

F32 = jnp.float32


def _prep_body(x_ref, b3_ref, u_ref, eW1s_ref, eW1d_ref, eW1u_ref, eb1_ref,
               nW1x_ref, nW1u_ref, nb1_ref,
               xs2_ref, xd_ref, npre_ref):
    xb = x_ref[...]
    ue = jnp.dot(u_ref[...], eW1u_ref[...], preferred_element_type=F32) + eb1_ref[...]
    un = jnp.dot(u_ref[...], nW1u_ref[...], preferred_element_type=F32) + nb1_ref[...]
    brow = b3_ref[0]
    BN = brow.shape[1]
    onehT = (jnp.broadcast_to(brow, (G, BN)) ==
             lax.broadcasted_iota(jnp.int32, (G, BN), 0)).astype(F32)
    gather_ue = lax.dot_general(onehT, ue, (((0,), (0,)), ((), ())),
                                preferred_element_type=F32)
    gather_un = lax.dot_general(onehT, un, (((0,), (0,)), ((), ())),
                                preferred_element_type=F32)
    xs2_ref[...] = jnp.dot(xb, eW1s_ref[...], preferred_element_type=F32) + gather_ue
    xd_ref[...] = jnp.dot(xb, eW1d_ref[...], preferred_element_type=F32)
    npre_ref[...] = jnp.dot(xb, nW1x_ref[...], preferred_element_type=F32) + gather_un


def _prep(x, batch3, u, eW1s, eW1d, eW1u, eb1, nW1x, nW1u, nb1):
    BN = 1000
    grid = N // BN
    full = lambda shape: pl.BlockSpec(shape, lambda i: (0, 0))
    return pl.pallas_call(
        _prep_body,
        grid=(grid,),
        in_specs=[
            pl.BlockSpec((BN, D), lambda i: (i, 0)),
            pl.BlockSpec((1, 1, BN), lambda i: (i, 0, 0)),
            full((G, DU)),
            full((D, H)), full((D, H)), full((DU, H)), full((1, H)),
            full((D, H)), full((DU, H)), full((1, H)),
        ],
        out_specs=[
            pl.BlockSpec((BN, H), lambda i: (i, 0)),
            pl.BlockSpec((BN, H), lambda i: (i, 0)),
            pl.BlockSpec((BN, H), lambda i: (i, 0)),
        ],
        out_shape=[
            jax.ShapeDtypeStruct((N, H), F32),
            jax.ShapeDtypeStruct((N, H), F32),
            jax.ShapeDtypeStruct((N, H), F32),
        ],
    )(x, batch3, u, eW1s, eW1d, eW1u, eb1, nW1x, nW1u, nb1)


def _sc_gather_body(xs2_hbm, xd_hbm, row2_hbm, col2_hbm, batch_hbm,
                    ta_hbm, tb_hbm, be2_hbm,
                    row_v, col_v, a_v, b_v, be_v, batch_v, gsem, wsem):
    cid = lax.axis_index("c")
    sid = lax.axis_index("s")
    wid = sid * NC + cid
    pltpu.sync_copy(batch_hbm, batch_v)

    def chunk_body(k, _):
        c = k * NW + wid
        r2 = c * 2
        base = c * CHUNK
        pltpu.sync_copy(row2_hbm.at[pl.ds(r2, 2)], row_v)
        pltpu.sync_copy(col2_hbm.at[pl.ds(r2, 2)], col_v)
        d0 = pltpu.async_copy(xs2_hbm.at[row_v.at[0]], a_v.at[pl.ds(0, 128)], gsem)
        d1 = pltpu.async_copy(xs2_hbm.at[row_v.at[1]], a_v.at[pl.ds(128, 128)], gsem)
        d2 = pltpu.async_copy(xd_hbm.at[col_v.at[0]], b_v.at[pl.ds(0, 128)], gsem)
        d3 = pltpu.async_copy(xd_hbm.at[col_v.at[1]], b_v.at[pl.ds(128, 128)], gsem)

        for j in range(2):
            for l in range(8):
                sl = pl.ds(l * 16, 16)
                idx16 = row_v[j, sl]
                be_v[j, sl] = plsc.load_gather(batch_v, [idx16])

        d0.wait(); d1.wait()
        w0 = pltpu.async_copy(a_v, ta_hbm.at[pl.ds(base, CHUNK)], wsem)
        d2.wait(); d3.wait()
        w1 = pltpu.async_copy(b_v, tb_hbm.at[pl.ds(base, CHUNK)], wsem)
        pltpu.sync_copy(be_v, be2_hbm.at[pl.ds(r2, 2)])
        w0.wait(); w1.wait()
        return 0

    lax.fori_loop(0, KMAX, chunk_body, 0)


def _sc_gather(xs2, xd, row2p, col2p, batch):
    mesh = plsc.VectorSubcoreMesh(core_axis_name="c", subcore_axis_name="s")
    f = pl.kernel(
        _sc_gather_body,
        out_type=[
            jax.ShapeDtypeStruct((EPAD, H), F32),
            jax.ShapeDtypeStruct((EPAD, H), F32),
            jax.ShapeDtypeStruct((NPCH * 2, 128), jnp.int32),
        ],
        mesh=mesh,
        scratch_types=[
            pltpu.VMEM((2, 128), jnp.int32),
            pltpu.VMEM((2, 128), jnp.int32),
            pltpu.VMEM((CHUNK, H), F32),
            pltpu.VMEM((CHUNK, H), F32),
            pltpu.VMEM((2, 128), jnp.int32),
            pltpu.VMEM((N,), jnp.int32),
            pltpu.SemaphoreType.DMA,
            pltpu.SemaphoreType.DMA,
        ],
        compiler_params=pltpu.CompilerParams(needs_layout_passes=False),
    )
    return f(xs2, xd, row2p, col2p, batch)


def _edge_body(ta_ref, tb_ref, ea_ref, be_ref, eW1a_ref, eW2_ref, eb2_ref,
               eW3_ref, eb3_ref, eo_ref, ecnt_ref):
    i = pl.program_id(0)
    h1 = jnp.maximum(
        ta_ref[...] + tb_ref[...]
        + jnp.dot(ea_ref[...], eW1a_ref[...], preferred_element_type=F32),
        0.0)
    h2 = jnp.maximum(
        jnp.dot(h1, eW2_ref[...], preferred_element_type=F32) + eb2_ref[...], 0.0)
    eo_ref[...] = jnp.dot(h2, eW3_ref[...], preferred_element_type=F32) + eb3_ref[...]

    @pl.when(i == 0)
    def _():
        ecnt_ref[...] = jnp.zeros_like(ecnt_ref)

    beb = be_ref[0]
    RB = beb.shape[0]
    iog = lax.broadcasted_iota(jnp.int32, (G, 128), 0)
    s = jnp.zeros((G, 128), F32)
    for r in range(RB):
        s = s + (jnp.broadcast_to(beb[r:r + 1, :], (G, 128)) == iog).astype(F32)
    ecnt_ref[...] += jnp.broadcast_to(jnp.sum(s, axis=1, keepdims=True), (G, 128))


def _edge_mlp(ta, tb, ea, be2, eW1a, eW2, eb2, eW3, eb3):
    RB = 20
    BE = RB * 128
    grid = E // BE
    be3 = be2.reshape(NPCH * 2 // RB, RB, 128)
    full = lambda shape: pl.BlockSpec(shape, lambda i: (0, 0))
    return pl.pallas_call(
        _edge_body,
        grid=(grid,),
        in_specs=[
            pl.BlockSpec((BE, H), lambda i: (i, 0)),
            pl.BlockSpec((BE, H), lambda i: (i, 0)),
            pl.BlockSpec((BE, DE), lambda i: (i, 0)),
            pl.BlockSpec((1, RB, 128), lambda i: (i, 0, 0)),
            full((DE, H)), full((H, H)), full((1, H)), full((H, O)), full((1, O)),
        ],
        out_specs=[
            pl.BlockSpec((BE, O), lambda i: (i, 0)),
            pl.BlockSpec((G, 128), lambda i: (0, 0)),
        ],
        out_shape=[
            jax.ShapeDtypeStruct((E, O), F32),
            jax.ShapeDtypeStruct((G, 128), F32),
        ],
    )(ta, tb, ea, be3, eW1a, eW2, eb2, eW3, eb3)


def _sc_scatter_body(eo_hbm, col2_hbm, be2_hbm, zeros_hbm,
                     agg0_hbm, agg1_hbm, es0_hbm, es1_hbm,
                     eo_v, col_v, be_v, acc_sh, es_sh, sem):
    cid = lax.axis_index("c")
    sid = lax.axis_index("s")
    wid = sid * NC + cid

    @pl.when(sid == 0)
    def _():
        pltpu.sync_copy(zeros_hbm, acc_sh)

    @pl.when(sid == 1)
    def _():
        pltpu.sync_copy(zeros_hbm.at[pl.ds(0, G)], es_sh)

    plsc.subcore_barrier()

    def chunk_body(k, _):
        c = k * NW + wid

        @pl.when(c < NCHUNK)
        def _():
            r2 = c * 2
            base = c * CHUNK
            pltpu.sync_copy(col2_hbm.at[pl.ds(r2, 2)], col_v)
            pltpu.sync_copy(be2_hbm.at[pl.ds(r2, 2)], be_v)
            d = pltpu.async_copy(eo_hbm.at[pl.ds(base, CHUNK)], eo_v, sem)
            d.wait()
            for j in range(2):
                rows = eo_v.at[pl.ds(j * 128, 128)]
                pltpu.sync_copy(rows, acc_sh.at[col_v.at[j]], add=True)
                pltpu.sync_copy(rows, es_sh.at[be_v.at[j]], add=True)
        return 0

    lax.fori_loop(0, KMAX, chunk_body, 0)
    plsc.subcore_barrier()

    ROWS = 1000
    @pl.when(jnp.logical_and(cid == 0, sid < N // ROWS))
    def _():
        pltpu.sync_copy(acc_sh.at[pl.ds(sid * ROWS, ROWS)],
                        agg0_hbm.at[pl.ds(sid * ROWS, ROWS)])

    @pl.when(jnp.logical_and(cid == 1, sid < N // ROWS))
    def _():
        pltpu.sync_copy(acc_sh.at[pl.ds(sid * ROWS, ROWS)],
                        agg1_hbm.at[pl.ds(sid * ROWS, ROWS)])

    @pl.when(jnp.logical_and(cid == 0, sid == 10))
    def _():
        pltpu.sync_copy(es_sh, es0_hbm)

    @pl.when(jnp.logical_and(cid == 1, sid == 10))
    def _():
        pltpu.sync_copy(es_sh, es1_hbm)


def _sc_scatter(eo, col2, be2, zeros_n):
    mesh = plsc.VectorSubcoreMesh(core_axis_name="c", subcore_axis_name="s")
    f = pl.kernel(
        _sc_scatter_body,
        out_type=[
            jax.ShapeDtypeStruct((N, O), F32),
            jax.ShapeDtypeStruct((N, O), F32),
            jax.ShapeDtypeStruct((G, O), F32),
            jax.ShapeDtypeStruct((G, O), F32),
        ],
        mesh=mesh,
        scratch_types=[
            pltpu.VMEM((CHUNK, O), F32),
            pltpu.VMEM((2, 128), jnp.int32),
            pltpu.VMEM((2, 128), jnp.int32),
            pltpu.VMEM_SHARED((N, O), F32),
            pltpu.VMEM_SHARED((G, O), F32),
            pltpu.SemaphoreType.DMA,
        ],
    )
    return f(eo, col2, be2, zeros_n)


def _node_body(npre_ref, a0_ref, a1_ref, b3_ref,
               nW1a_ref, nW2_ref, nb2_ref, nW3_ref, nb3_ref,
               u_ref, es0_ref, es1_ref, ecnt_ref,
               gW1u_ref, gW1n_ref, gW1e_ref, gb1_ref,
               gW2_ref, gb2_ref, gW3_ref, gb3_ref,
               nout_ref, uout_ref, ns_acc, ncnt_acc):
    i = pl.program_id(0)
    agg = a0_ref[...] + a1_ref[...]
    nh1 = jnp.maximum(
        npre_ref[...] + jnp.dot(agg, nW1a_ref[...], preferred_element_type=F32), 0.0)
    nh2 = jnp.maximum(
        jnp.dot(nh1, nW2_ref[...], preferred_element_type=F32) + nb2_ref[...], 0.0)
    nout = jnp.dot(nh2, nW3_ref[...], preferred_element_type=F32) + nb3_ref[...]
    nout_ref[...] = nout

    brow = b3_ref[0]
    BN = brow.shape[1]
    onehT = (jnp.broadcast_to(brow, (G, BN)) ==
             lax.broadcasted_iota(jnp.int32, (G, BN), 0)).astype(F32)

    @pl.when(i == 0)
    def _():
        ns_acc[...] = jnp.zeros_like(ns_acc)
        ncnt_acc[...] = jnp.zeros_like(ncnt_acc)

    ns_acc[...] += lax.dot_general(onehT, nout, (((1,), (0,)), ((), ())),
                                   preferred_element_type=F32)
    ncnt_acc[...] += jnp.broadcast_to(
        jnp.sum(onehT, axis=1, keepdims=True), (G, 128))

    @pl.when(i == pl.num_programs(0) - 1)
    def _():
        node_mean = ns_acc[...] / jnp.maximum(ncnt_acc[...], 1.0)
        esum = es0_ref[...] + es1_ref[...]
        edge_mean = esum / jnp.maximum(ecnt_ref[...], 1.0)
        gh1 = jnp.maximum(
            jnp.dot(u_ref[...], gW1u_ref[...], preferred_element_type=F32)
            + jnp.dot(node_mean, gW1n_ref[...], preferred_element_type=F32)
            + jnp.dot(edge_mean, gW1e_ref[...], preferred_element_type=F32)
            + gb1_ref[...], 0.0)
        gh2 = jnp.maximum(
            jnp.dot(gh1, gW2_ref[...], preferred_element_type=F32) + gb2_ref[...], 0.0)
        uout_ref[...] = jnp.dot(gh2, gW3_ref[...], preferred_element_type=F32) + gb3_ref[...]


def _node_global(npre, agg0, agg1, batch3, nW1a, nW2, nb2, nW3, nb3,
                 u, es0, es1, ecnt, gW1u, gW1n, gW1e, gb1, gW2, gb2, gW3, gb3):
    BN = 1000
    grid = N // BN
    full = lambda shape: pl.BlockSpec(shape, lambda i: (0, 0))
    return pl.pallas_call(
        _node_body,
        grid=(grid,),
        in_specs=[
            pl.BlockSpec((BN, H), lambda i: (i, 0)),
            pl.BlockSpec((BN, O), lambda i: (i, 0)),
            pl.BlockSpec((BN, O), lambda i: (i, 0)),
            pl.BlockSpec((1, 1, BN), lambda i: (i, 0, 0)),
            full((O, H)), full((H, H)), full((1, H)), full((H, O)), full((1, O)),
            full((G, DU)), full((G, O)), full((G, O)), full((G, 128)),
            full((DU, H)), full((O, H)), full((O, H)), full((1, H)),
            full((H, H)), full((1, H)), full((H, DU)), full((1, DU)),
        ],
        out_specs=[
            pl.BlockSpec((BN, O), lambda i: (i, 0)),
            pl.BlockSpec((G, DU), lambda i: (0, 0)),
        ],
        out_shape=[
            jax.ShapeDtypeStruct((N, O), F32),
            jax.ShapeDtypeStruct((G, DU), F32),
        ],
        scratch_shapes=[
            pltpu.VMEM((G, 128), F32),
            pltpu.VMEM((G, 128), F32),
        ],
    )(npre, agg0, agg1, batch3, nW1a, nW2, nb2, nW3, nb3,
      u, es0, es1, ecnt, gW1u, gW1n, gW1e, gb1, gW2, gb2, gW3, gb3)


@jax.jit
def kernel(x, edge_index, edge_attr, u, batch,
           eW1, eb1, eW2, eb2, eW3, eb3,
           nW1, nb1, nW2, nb2, nW3, nb3,
           gW1, gb1, gW2, gb2, gW3, gb3):
    row = edge_index[0]
    col = edge_index[1]
    col2 = col.reshape(E // 128, 128)
    batch3 = batch.reshape(N // 1000, 1, 1000)

    pad = jnp.zeros((EPAD - E,), jnp.int32)
    row2p = jnp.concatenate([row, pad]).reshape(NPCH * 2, 128)
    col2p = jnp.concatenate([col, pad]).reshape(NPCH * 2, 128)

    eW1s, eW1d, eW1a, eW1u = eW1[:D], eW1[D:2 * D], eW1[2 * D:2 * D + DE], eW1[2 * D + DE:]
    nW1x, nW1a, nW1u = nW1[:D], nW1[D:D + O], nW1[D + O:]
    gW1u, gW1n, gW1e = gW1[:DU], gW1[DU:DU + O], gW1[DU + O:]

    r2 = lambda b: b.reshape(1, -1)

    xs2, xd, npre = _prep(x, batch3, u, eW1s, eW1d, eW1u, r2(eb1),
                          nW1x, nW1u, r2(nb1))
    ta, tb, be2 = _sc_gather(xs2, xd, row2p, col2p, batch)
    edge_out, ecnt = _edge_mlp(ta, tb, edge_attr, be2, eW1a, eW2, r2(eb2),
                               eW3, r2(eb3))
    zeros_n = jnp.zeros((N, O), F32)
    agg0, agg1, es0, es1 = _sc_scatter(edge_out, col2, be2, zeros_n)
    node_out, u_out = _node_global(
        npre, agg0, agg1, batch3, nW1a, nW2, r2(nb2), nW3, r2(nb3),
        u, es0, es1, ecnt, gW1u, gW1n, gW1e, r2(gb1), gW2, r2(gb2), gW3, r2(gb3))
    return (node_out, edge_out, u_out)

# --- scband reference (transcript-rebuilt; emitter-appended) ---
"""Pipeline reference for scband-gnblock-8461085573692 (READ-ONLY COPY).

The authoritative reference and input builder live on the scoring server;
editing this copy changes nothing except your own understanding.
"""

import jax, jax.numpy as jnp
import numpy as np

N = 10000
E = 320000
D = 128
DE = 16
G = 64
H = 128
O = 128
DU = 128
E_IN = 2 * D + DE + DU  # 400
N_IN = D + O + DU       # 384
G_IN = DU + O + O       # 384


def _mlp(h, W1, b1, W2, b2, W3, b3):
    h = jax.nn.relu(h @ W1 + b1)
    h = jax.nn.relu(h @ W2 + b2)
    return h @ W3 + b3


def _init_mlp(key, d_in, d_h, d_out):
    k1, k2, k3 = jax.random.split(key, 3)
    W1 = jax.random.normal(k1, (d_in, d_h), jnp.float32) * (1.0 / np.sqrt(d_in))
    b1 = jnp.zeros((d_h,), jnp.float32)
    W2 = jax.random.normal(k2, (d_h, d_h), jnp.float32) * (1.0 / np.sqrt(d_h))
    b2 = jnp.zeros((d_h,), jnp.float32)
    W3 = jax.random.normal(k3, (d_h, d_out), jnp.float32) * (1.0 / np.sqrt(d_h))
    b3 = jnp.zeros((d_out,), jnp.float32)
    return (W1, b1, W2, b2, W3, b3)


def setup_inputs(seed: int = 0):
    key = jax.random.key(seed)
    ks = jax.random.split(key, 8)
    x = jax.random.normal(ks[0], (N, D), jnp.float32)
    edge_index = jax.random.randint(ks[1], (2, E), 0, N, dtype=jnp.int32)
    edge_attr = jax.random.normal(ks[2], (E, DE), jnp.float32)
    u = jax.random.normal(ks[3], (G, DU), jnp.float32)
    batch = jnp.sort(jax.random.randint(ks[4], (N,), 0, G, dtype=jnp.int32))
    d = {"x": x, "edge_index": edge_index, "edge_attr": edge_attr, "u": u, "batch": batch}
    for pre, P in (("e", _init_mlp(ks[5], E_IN, H, O)), ("n", _init_mlp(ks[6], N_IN, H, O)), ("g", _init_mlp(ks[7], G_IN, H, DU))):
        for nm, val in zip(("W1", "b1", "W2", "b2", "W3", "b3"), P):
            d[pre + nm] = val
    return d


def reference(x, edge_index, edge_attr, u, batch,
              eW1, eb1, eW2, eb2, eW3, eb3,
              nW1, nb1, nW2, nb2, nW3, nb3,
              gW1, gb1, gW2, gb2, gW3, gb3):
    row = edge_index[0]
    col = edge_index[1]
    batch_e = batch[row]
    # EdgeModel: updates edge_attr from (src, dest, edge_attr, u[batch[row]])
    e_in = jnp.concatenate([x[row], x[col], edge_attr, u[batch_e]], axis=1)
    edge_out = _mlp(e_in, eW1, eb1, eW2, eb2, eW3, eb3)
    # NodeModel: scatter_add updated edge features into dst nodes
    agg = jax.ops.segment_sum(edge_out, col, num_segments=N)
    n_in = jnp.concatenate([x, agg, u[batch]], axis=1)
    node_out = _mlp(n_in, nW1, nb1, nW2, nb2, nW3, nb3)
    # GlobalModel: scatter_mean of updated node/edge features per graph
    node_cnt = jnp.maximum(jax.ops.segment_sum(jnp.ones((N,), jnp.float32), batch, num_segments=G), 1.0)
    edge_cnt = jnp.maximum(jax.ops.segment_sum(jnp.ones((E,), jnp.float32), batch_e, num_segments=G), 1.0)
    node_mean = jax.ops.segment_sum(node_out, batch, num_segments=G) / node_cnt[:, None]
    edge_mean = jax.ops.segment_sum(edge_out, batch_e, num_segments=G) / edge_cnt[:, None]
    g_in = jnp.concatenate([u, node_mean, edge_mean], axis=1)
    u_out = _mlp(g_in, gW1, gb1, gW2, gb2, gW3, gb3)
    return (node_out, edge_out, u_out)

if __name__ == "__main__":
    import jax
    _d = setup_inputs()
    print(jax.jit(kernel)(*tuple(_d.values())))

</pallas_src>

<mosaic_0001>
#map = affine_map<(d0, d1) -> (0, 0)>
module attributes {stable_mosaic.version = 14 : i64} {
  func.func @_sc_scatter_body(%arg0: i32, %arg1: i32, %arg2: memref<320000x128xf32, #tpu.memory_space<hbm>>, %arg3: memref<2500x128xi32, #tpu.memory_space<hbm>>, %arg4: memref<2560x128xi32, #tpu.memory_space<hbm>>, %arg5: memref<10000x128xf32, #tpu.memory_space<hbm>>, %arg6: memref<10000x128xf32, #tpu.memory_space<hbm>>, %arg7: memref<10000x128xf32, #tpu.memory_space<hbm>>, %arg8: memref<64x128xf32, #tpu.memory_space<hbm>>, %arg9: memref<64x128xf32, #tpu.memory_space<hbm>>, %arg10: memref<256x128xf32, #tpu.memory_space<vmem>>, %arg11: memref<2x128xi32, #tpu.memory_space<vmem>>, %arg12: memref<2x128xi32, #tpu.memory_space<vmem>>, %arg13: memref<10000x128xf32, #tpu.memory_space<vmem_shared>>, %arg14: memref<64x128xf32, #tpu.memory_space<vmem_shared>>, %arg15: memref<!tpu.dma_semaphore, #tpu.memory_space<semaphore_mem>>) attributes {dimension_semantics = [#tpu.dimension_semantics<core_parallel>, #tpu.dimension_semantics<subcore_parallel>], iteration_bounds = array<i64: 2, 16>, scalar_prefetch = 0 : i64, scratch_operands = 6 : i64, tpu.core_type = #tpu.core_type<sc_vector_subcore>, window_params = [{transform_indices = #map}, {transform_indices = #map}, {transform_indices = #map}, {transform_indices = #map}, {transform_indices = #map}, {transform_indices = #map}, {transform_indices = #map}, {transform_indices = #map}]} {
    %mul3A = arith.constant 2 : i32
    %mul3A_0 = arith.muli %arg1, %mul3A : i32
    %add3A = arith.addi %mul3A_0, %arg0 : i32
    %eq3A = arith.constant 0 : i32
    %eq3A_1 = arith.cmpi eq, %arg1, %eq3A : i32
    %convert_element_type3A = arith.extui %eq3A_1 : i1 to i32
    %cond3A = arith.constant 0 : i32
    %cond3A_2 = arith.cmpi ne, %convert_element_type3A, %cond3A : i32
    scf.if %cond3A_2 {
      "tpu.region"() ({
        %run_scoped3A = tpu.sem_alloc : memref<!tpu.dma_semaphore, #tpu.memory_space<semaphore_mem>>
        tpu.enqueue_dma source(%arg5 : memref<10000x128xf32, #tpu.memory_space<hbm>>) target(%arg13 : memref<10000x128xf32, #tpu.memory_space<vmem_shared>>) target_semaphore(%run_scoped3A : memref<!tpu.dma_semaphore, #tpu.memory_space<semaphore_mem>>)
        tpu.wait_dma2 semaphore(%run_scoped3A : memref<!tpu.dma_semaphore, #tpu.memory_space<semaphore_mem>>) src(%arg5 : memref<10000x128xf32, #tpu.memory_space<hbm>>) dst(%arg13 : memref<10000x128xf32, #tpu.memory_space<vmem_shared>>)
        tpu.yield
      }) : () -> ()
    } else {
    }
    %eq3A_3 = arith.constant 1 : i32
    %eq3A_4 = arith.cmpi eq, %arg1, %eq3A_3 : i32
    %convert_element_type3A_5 = arith.extui %eq3A_4 : i1 to i32
    %cond3A_6 = arith.constant 0 : i32
    %cond3A_7 = arith.cmpi ne, %convert_element_type3A_5, %cond3A_6 : i32
    scf.if %cond3A_7 {
      "tpu.region"() ({
        %run_scoped3A = tpu.sem_alloc : memref<!tpu.dma_semaphore, #tpu.memory_space<semaphore_mem>>
        %dma_start3A = arith.constant 0 : i32
        %dma_start3A_45 = arith.constant 0 : i32
        %dma_start3A_46 = tpu.memref_slice %arg5[%dma_start3A, %dma_start3A_45] : memref<10000x128xf32, #tpu.memory_space<hbm>> -> memref<64x128xf32, #tpu.memory_space<hbm>>
        tpu.enqueue_dma source(%dma_start3A_46 : memref<64x128xf32, #tpu.memory_space<hbm>>) target(%arg14 : memref<64x128xf32, #tpu.memory_space<vmem_shared>>) target_semaphore(%run_scoped3A : memref<!tpu.dma_semaphore, #tpu.memory_space<semaphore_mem>>)
        %dma_wait3A = arith.constant 0 : i32
        %dma_wait3A_47 = arith.constant 0 : i32
        %dma_wait3A_48 = tpu.memref_slice %arg5[%dma_wait3A, %dma_wait3A_47] : memref<10000x128xf32, #tpu.memory_space<hbm>> -> memref<64x128xf32, #tpu.memory_space<hbm>>
        tpu.wait_dma2 semaphore(%run_scoped3A : memref<!tpu.dma_semaphore, #tpu.memory_space<semaphore_mem>>) src(%dma_wait3A_48 : memref<64x128xf32, #tpu.memory_space<hbm>>) dst(%arg14 : memref<64x128xf32, #tpu.memory_space<vmem_shared>>)
        tpu.yield
      }) : () -> ()
    } else {
    }
    %barrier3A = arith.constant 0 : index
    tpu.barrier barrier_id(%barrier3A)
    %scan3A = arith.constant 0 : i32
    %scan3A_8 = arith.constant 0 : i32
    %scan3A_9 = arith.constant 40 : i32
    %scan3A_10 = arith.addi %scan3A_8, %scan3A_9 : i32
    %scan3A_11 = arith.constant 1 : i32
    %scan3A_12 = scf.for %scan3A_45 = %scan3A_8 to %scan3A_10 step %scan3A_11 iter_args(%scan3A_46 = %scan3A) -> (i32)  : i32 {
      %mul3A_47 = arith.constant 32 : i32
      %mul3A_48 = arith.muli %scan3A_45, %mul3A_47 : i32
      %add3A_49 = arith.addi %mul3A_48, %add3A : i32
      %lt3A_50 = arith.constant 1250 : i32
      %lt3A_51 = arith.cmpi slt, %add3A_49, %lt3A_50 : i32
      %convert_element_type3A_52 = arith.extui %lt3A_51 : i1 to i32
      %cond3A_53 = arith.constant 0 : i32
      %cond3A_54 = arith.cmpi ne, %convert_element_type3A_52, %cond3A_53 : i32
      scf.if %cond3A_54 {
        %mul3A_56 = arith.constant 2 : i32
        %mul3A_57 = arith.muli %add3A_49, %mul3A_56 : i32
        %mul3A_58 = arith.constant 256 : i32
        %mul3A_59 = arith.muli %add3A_49, %mul3A_58 : i32
        "tpu.region"() ({
          %run_scoped3A_69 = tpu.sem_alloc : memref<!tpu.dma_semaphore, #tpu.memory_space<semaphore_mem>>
          %dma_start3A_70 = arith.constant 0 : i32
          %dma_start3A_71 = tpu.memref_slice %arg3[%mul3A_57, %dma_start3A_70] : memref<2500x128xi32, #tpu.memory_space<hbm>> -> memref<2x128xi32, #tpu.memory_space<hbm>>
          %dma_start3A_72 = arith.constant 0 : i32
          %dma_start3A_73 = tpu.memref_slice %arg3[%mul3A_57, %dma_start3A_72] : memref<2500x128xi32, #tpu.memory_space<hbm>> -> memref<2x128xi32, #tpu.memory_space<hbm>>
          tpu.enqueue_dma source(%dma_start3A_73 : memref<2x128xi32, #tpu.memory_space<hbm>>) target(%arg11 : memref<2x128xi32, #tpu.memory_space<vmem>>) target_semaphore(%run_scoped3A_69 : memref<!tpu.dma_semaphore, #tpu.memory_space<semaphore_mem>>)
          %dma_wait3A_74 = arith.constant 0 : i32
          %dma_wait3A_75 = tpu.memref_slice %arg3[%mul3A_57, %dma_wait3A_74] : memref<2500x128xi32, #tpu.memory_space<hbm>> -> memref<2x128xi32, #tpu.memory_space<hbm>>
          %dma_wait3A_76 = arith.constant 0 : i32
          %dma_wait3A_77 = tpu.memref_slice %arg3[%mul3A_57, %dma_wait3A_76] : memref<2500x128xi32, #tpu.memory_space<hbm>> -> memref<2x128xi32, #tpu.memory_space<hbm>>
          tpu.wait_dma2 semaphore(%run_scoped3A_69 : memref<!tpu.dma_semaphore, #tpu.memory_space<semaphore_mem>>) src(%dma_wait3A_77 : memref<2x128xi32, #tpu.memory_space<hbm>>) dst(%arg11 : memref<2x128xi32, #tpu.memory_space<vmem>>)
          tpu.yield
        }) : () -> ()
        "tpu.region"() ({
          %run_scoped3A_69 = tpu.sem_alloc : memref<!tpu.dma_semaphore, #tpu.memory_space<semaphore_mem>>
          %dma_start3A_70 = arith.constant 0 : i32
          %dma_start3A_71 = tpu.memref_slice %arg4[%mul3A_57, %dma_start3A_70] : memref<2560x128xi32, #tpu.memory_space<hbm>> -> memref<2x128xi32, #tpu.memory_space<hbm>>
          %dma_start3A_72 = arith.constant 0 : i32
          %dma_start3A_73 = tpu.memref_slice %arg4[%mul3A_57, %dma_start3A_72] : memref<2560x128xi32, #tpu.memory_space<hbm>> -> memref<2x128xi32, #tpu.memory_space<hbm>>
          tpu.enqueue_dma source(%dma_start3A_73 : memref<2x128xi32, #tpu.memory_space<hbm>>) target(%arg12 : memref<2x128xi32, #tpu.memory_space<vmem>>) target_semaphore(%run_scoped3A_69 : memref<!tpu.dma_semaphore, #tpu.memory_space<semaphore_mem>>)
          %dma_wait3A_74 = arith.constant 0 : i32
          %dma_wait3A_75 = tpu.memref_slice %arg4[%mul3A_57, %dma_wait3A_74] : memref<2560x128xi32, #tpu.memory_space<hbm>> -> memref<2x128xi32, #tpu.memory_space<hbm>>
          %dma_wait3A_76 = arith.constant 0 : i32
          %dma_wait3A_77 = tpu.memref_slice %arg4[%mul3A_57, %dma_wait3A_76] : memref<2560x128xi32, #tpu.memory_space<hbm>> -> memref<2x128xi32, #tpu.memory_space<hbm>>
          tpu.wait_dma2 semaphore(%run_scoped3A_69 : memref<!tpu.dma_semaphore, #tpu.memory_space<semaphore_mem>>) src(%dma_wait3A_77 : memref<2x128xi32, #tpu.memory_space<hbm>>) dst(%arg12 : memref<2x128xi32, #tpu.memory_space<vmem>>)
          tpu.yield
        }) : () -> ()
        %dma_start3A = arith.constant 0 : i32
        %dma_start3A_60 = tpu.memref_slice %arg2[%mul3A_59, %dma_start3A] : memref<320000x128xf32, #tpu.memory_space<hbm>> -> memref<256x128xf32, #tpu.memory_space<hbm>>
        %dma_start3A_61 = arith.constant 0 : i32
        %dma_start3A_62 = tpu.memref_slice %arg2[%mul3A_59, %dma_start3A_61] : memref<320000x128xf32, #tpu.memory_space<hbm>> -> memref<256x128xf32, #tpu.memory_space<hbm>>
        tpu.enqueue_dma source(%dma_start3A_62 : memref<256x128xf32, #tpu.memory_space<hbm>>) target(%arg10 : memref<256x128xf32, #tpu.memory_space<vmem>>) target_semaphore(%arg15 : memref<!tpu.dma_semaphore, #tpu.memory_space<semaphore_mem>>)
        %dma_wait3A = arith.constant 0 : i32
        %dma_wait3A_63 = tpu.memref_slice %arg2[%mul3A_59, %dma_wait3A] : memref<320000x128xf32, #tpu.memory_space<hbm>> -> memref<256x128xf32, #tpu.memory_space<hbm>>
        %dma_wait3A_64 = arith.constant 0 : i32
        %dma_wait3A_65 = tpu.memref_slice %arg2[%mul3A_59, %dma_wait3A_64] : memref<320000x128xf32, #tpu.memory_space<hbm>> -> memref<256x128xf32, #tpu.memory_space<hbm>>
        tpu.wait_dma2 semaphore(%arg15 : memref<!tpu.dma_semaphore, #tpu.memory_space<semaphore_mem>>) src(%dma_wait3A_65 : memref<256x128xf32, #tpu.memory_space<hbm>>) dst(%arg10 : memref<256x128xf32, #tpu.memory_space<vmem>>)
        %run_scoped3A = arith.constant 0 : i32
        "tpu.region"() ({
          %run_scoped3A_69 = tpu.sem_alloc : memref<!tpu.dma_semaphore, #tpu.memory_space<semaphore_mem>>
          %dma_start3A_70 = arith.constant 0 : i32
          %dma_start3A_71 = arith.constant 0 : i32
          %dma_start3A_72 = tpu.memref_slice %arg10[%dma_start3A_70, %dma_start3A_71] : memref<256x128xf32, #tpu.memory_space<vmem>> -> memref<128x128xf32, #tpu.memory_space<vmem>>
          %dma_start3A_73 = arith.constant 0 : i32
          %dma_start3A_74 = tpu.memref_slice %arg11[%run_scoped3A, %dma_start3A_73] : memref<2x128xi32, #tpu.memory_space<vmem>> -> memref<1x128xi32, #tpu.memory_space<vmem>>
          %dma_start3A_75 = tpu.memref_squeeze %dma_start3A_74 : memref<1x128xi32, #tpu.memory_space<vmem>> -> memref<128xi32, #tpu.memory_space<vmem>>
          %dma_start3A_76 = arith.constant 0 : i32
          %dma_start3A_77 = arith.constant 0 : i32
          %dma_start3A_78 = tpu.memref_slice %arg13[%dma_start3A_76, %dma_start3A_77] : memref<10000x128xf32, #tpu.memory_space<vmem_shared>> -> memref<10000x128xf32, #tpu.memory_space<vmem_shared>>
          tpu.enqueue_indirect_dma source(%dma_start3A_72 : memref<128x128xf32, #tpu.memory_space<vmem>>) target(%dma_start3A_78 : memref<10000x128xf32, #tpu.memory_space<vmem_shared>>) offsets(%dma_start3A_75 : memref<128xi32, #tpu.memory_space<vmem>>) semaphore(%run_scoped3A_69 : memref<!tpu.dma_semaphore, #tpu.memory_space<semaphore_mem>>) {add = true}
          %dma_wait3A_79 = arith.constant 0 : i32
          %dma_wait3A_80 = arith.constant 0 : i32
          %dma_wait3A_81 = tpu.memref_slice %arg10[%dma_wait3A_79, %dma_wait3A_80] : memref<256x128xf32, #tpu.memory_space<vmem>> -> memref<128x128xf32, #tpu.memory_space<vmem>>
          %dma_wait3A_82 = arith.constant 0 : i32
          %dma_wait3A_83 = tpu.memref_slice %arg11[%run_scoped3A, %dma_wait3A_82] : memref<2x128xi32, #tpu.memory_space<vmem>> -> memref<1x128xi32, #tpu.memory_space<vmem>>
          %dma_wait3A_84 = tpu.memref_squeeze %dma_wait3A_83 : memref<1x128xi32, #tpu.memory_space<vmem>> -> memref<128xi32, #tpu.memory_space<vmem>>
          %dma_wait3A_85 = arith.constant 0 : i32
          %dma_wait3A_86 = arith.constant 0 : i32
          %dma_wait3A_87 = tpu.memref_slice %arg13[%dma_wait3A_85, %dma_wait3A_86] : memref<10000x128xf32, #tpu.memory_space<vmem_shared>> -> memref<10000x128xf32, #tpu.memory_space<vmem_shared>>
          tpu.wait_indirect_dma semaphore(%run_scoped3A_69 : memref<!tpu.dma_semaphore, #tpu.memory_space<semaphore_mem>>) src(%dma_wait3A_81 : memref<128x128xf32, #tpu.memory_space<vmem>>) dst(%dma_wait3A_87 : memref<10000x128xf32, #tpu.memory_space<vmem_shared>>)
          tpu.yield
        }) : () -> ()
        %run_scoped3A_66 = arith.constant 0 : i32
        "tpu.region"() ({
          %run_scoped3A_69 = tpu.sem_alloc : memref<!tpu.dma_semaphore, #tpu.memory_space<semaphore_mem>>
          %dma_start3A_70 = arith.constant 0 : i32
          %dma_start3A_71 = arith.constant 0 : i32
          %dma_start3A_72 = tpu.memref_slice %arg10[%dma_start3A_70, %dma_start3A_71] : memref<256x128xf32, #tpu.memory_space<vmem>> -> memref<128x128xf32, #tpu.memory_space<vmem>>
          %dma_start3A_73 = arith.constant 0 : i32
          %dma_start3A_74 = tpu.memref_slice %arg12[%run_scoped3A_66, %dma_start3A_73] : memref<2x128xi32, #tpu.memory_space<vmem>> -> memref<1x128xi32, #tpu.memory_space<vmem>>
          %dma_start3A_75 = tpu.memref_squeeze %dma_start3A_74 : memref<1x128xi32, #tpu.memory_space<vmem>> -> memref<128xi32, #tpu.memory_space<vmem>>
          %dma_start3A_76 = arith.constant 0 : i32
          %dma_start3A_77 = arith.constant 0 : i32
          %dma_start3A_78 = tpu.memref_slice %arg14[%dma_start3A_76, %dma_start3A_77] : memref<64x128xf32, #tpu.memory_space<vmem_shared>> -> memref<64x128xf32, #tpu.memory_space<vmem_shared>>
          tpu.enqueue_indirect_dma source(%dma_start3A_72 : memref<128x128xf32, #tpu.memory_space<vmem>>) target(%dma_start3A_78 : memref<64x128xf32, #tpu.memory_space<vmem_shared>>) offsets(%dma_start3A_75 : memref<128xi32, #tpu.memory_space<vmem>>) semaphore(%run_scoped3A_69 : memref<!tpu.dma_semaphore, #tpu.memory_space<semaphore_mem>>) {add = true}
          %dma_wait3A_79 = arith.constant 0 : i32
          %dma_wait3A_80 = arith.constant 0 : i32
          %dma_wait3A_81 = tpu.memref_slice %arg10[%dma_wait3A_79, %dma_wait3A_80] : memref<256x128xf32, #tpu.memory_space<vmem>> -> memref<128x128xf32, #tpu.memory_space<vmem>>
          %dma_wait3A_82 = arith.constant 0 : i32
          %dma_wait3A_83 = tpu.memref_slice %arg12[%run_scoped3A_66, %dma_wait3A_82] : memref<2x128xi32, #tpu.memory_space<vmem>> -> memref<1x128xi32, #tpu.memory_space<vmem>>
          %dma_wait3A_84 = tpu.memref_squeeze %dma_wait3A_83 : memref<1x128xi32, #tpu.memory_space<vmem>> -> memref<128xi32, #tpu.memory_space<vmem>>
          %dma_wait3A_85 = arith.constant 0 : i32
          %dma_wait3A_86 = arith.constant 0 : i32
          %dma_wait3A_87 = tpu.memref_slice %arg14[%dma_wait3A_85, %dma_wait3A_86] : memref<64x128xf32, #tpu.memory_space<vmem_shared>> -> memref<64x128xf32, #tpu.memory_space<vmem_shared>>
          tpu.wait_indirect_dma semaphore(%run_scoped3A_69 : memref<!tpu.dma_semaphore, #tpu.memory_space<semaphore_mem>>) src(%dma_wait3A_81 : memref<128x128xf32, #tpu.memory_space<vmem>>) dst(%dma_wait3A_87 : memref<64x128xf32, #tpu.memory_space<vmem_shared>>)
          tpu.yield
        }) : () -> ()
        %run_scoped3A_67 = arith.constant 1 : i32
        "tpu.region"() ({
          %run_scoped3A_69 = tpu.sem_alloc : memref<!tpu.dma_semaphore, #tpu.memory_space<semaphore_mem>>
          %dma_start3A_70 = arith.constant 128 : i32
          %dma_start3A_71 = arith.constant 0 : i32
          %dma_start3A_72 = tpu.memref_slice %arg10[%dma_start3A_70, %dma_start3A_71] : memref<256x128xf32, #tpu.memory_space<vmem>> -> memref<128x128xf32, #tpu.memory_space<vmem>>
          %dma_start3A_73 = arith.constant 0 : i32
          %dma_start3A_74 = tpu.memref_slice %arg11[%run_scoped3A_67, %dma_start3A_73] : memref<2x128xi32, #tpu.memory_space<vmem>> -> memref<1x128xi32, #tpu.memory_space<vmem>>
          %dma_start3A_75 = tpu.memref_squeeze %dma_start3A_74 : memref<1x128xi32, #tpu.memory_space<vmem>> -> memref<128xi32, #tpu.memory_space<vmem>>
          %dma_start3A_76 = arith.constant 0 : i32
          %dma_start3A_77 = arith.constant 0 : i32
          %dma_start3A_78 = tpu.memref_slice %arg13[%dma_start3A_76, %dma_start3A_77] : memref<10000x128xf32, #tpu.memory_space<vmem_shared>> -> memref<10000x128xf32, #tpu.memory_space<vmem_shared>>
          tpu.enqueue_indirect_dma source(%dma_start3A_72 : memref<128x128xf32, #tpu.memory_space<vmem>>) target(%dma_start3A_78 : memref<10000x128xf32, #tpu.memory_space<vmem_shared>>) offsets(%dma_start3A_75 : memref<128xi32, #tpu.memory_space<vmem>>) semaphore(%run_scoped3A_69 : memref<!tpu.dma_semaphore, #tpu.memory_space<semaphore_mem>>) {add = true}
          %dma_wait3A_79 = arith.constant 128 : i32
          %dma_wait3A_80 = arith.constant 0 : i32
          %dma_wait3A_81 = tpu.memref_slice %arg10[%dma_wait3A_79, %dma_wait3A_80] : memref<256x128xf32, #tpu.memory_space<vmem>> -> memref<128x128xf32, #tpu.memory_space<vmem>>
          %dma_wait3A_82 = arith.constant 0 : i32
          %dma_wait3A_83 = tpu.memref_slice %arg11[%run_scoped3A_67, %dma_wait3A_82] : memref<2x128xi32, #tpu.memory_space<vmem>> -> memref<1x128xi32, #tpu.memory_space<vmem>>
          %dma_wait3A_84 = tpu.memref_squeeze %dma_wait3A_83 : memref<1x128xi32, #tpu.memory_space<vmem>> -> memref<128xi32, #tpu.memory_space<vmem>>
          %dma_wait3A_85 = arith.constant 0 : i32
          %dma_wait3A_86 = arith.constant 0 : i32
          %dma_wait3A_87 = tpu.memref_slice %arg13[%dma_wait3A_85, %dma_wait3A_86] : memref<10000x128xf32, #tpu.memory_space<vmem_shared>> -> memref<10000x128xf32, #tpu.memory_space<vmem_shared>>
          tpu.wait_indirect_dma semaphore(%run_scoped3A_69 : memref<!tpu.dma_semaphore, #tpu.memory_space<semaphore_mem>>) src(%dma_wait3A_81 : memref<128x128xf32, #tpu.memory_space<vmem>>) dst(%dma_wait3A_87 : memref<10000x128xf32, #tpu.memory_space<vmem_shared>>)
          tpu.yield
        }) : () -> ()
        %run_scoped3A_68 = arith.constant 1 : i32
        "tpu.region"() ({
          %run_scoped3A_69 = tpu.sem_alloc : memref<!tpu.dma_semaphore, #tpu.memory_space<semaphore_mem>>
          %dma_start3A_70 = arith.constant 128 : i32
          %dma_start3A_71 = arith.constant 0 : i32
          %dma_start3A_72 = tpu.memref_slice %arg10[%dma_start3A_70, %dma_start3A_71] : memref<256x128xf32, #tpu.memory_space<vmem>> -> memref<128x128xf32, #tpu.memory_space<vmem>>
          %dma_start3A_73 = arith.constant 0 : i32
          %dma_start3A_74 = tpu.memref_slice %arg12[%run_scoped3A_68, %dma_start3A_73] : memref<2x128xi32, #tpu.memory_space<vmem>> -> memref<1x128xi32, #tpu.memory_space<vmem>>
          %dma_start3A_75 = tpu.memref_squeeze %dma_start3A_74 : memref<1x128xi32, #tpu.memory_space<vmem>> -> memref<128xi32, #tpu.memory_space<vmem>>
          %dma_start3A_76 = arith.constant 0 : i32
          %dma_start3A_77 = arith.constant 0 : i32
          %dma_start3A_78 = tpu.memref_slice %arg14[%dma_start3A_76, %dma_start3A_77] : memref<64x128xf32, #tpu.memory_space<vmem_shared>> -> memref<64x128xf32, #tpu.memory_space<vmem_shared>>
          tpu.enqueue_indirect_dma source(%dma_start3A_72 : memref<128x128xf32, #tpu.memory_space<vmem>>) target(%dma_start3A_78 : memref<64x128xf32, #tpu.memory_space<vmem_shared>>) offsets(%dma_start3A_75 : memref<128xi32, #tpu.memory_space<vmem>>) semaphore(%run_scoped3A_69 : memref<!tpu.dma_semaphore, #tpu.memory_space<semaphore_mem>>) {add = true}
          %dma_wait3A_79 = arith.constant 128 : i32
          %dma_wait3A_80 = arith.constant 0 : i32
          %dma_wait3A_81 = tpu.memref_slice %arg10[%dma_wait3A_79, %dma_wait3A_80] : memref<256x128xf32, #tpu.memory_space<vmem>> -> memref<128x128xf32, #tpu.memory_space<vmem>>
          %dma_wait3A_82 = arith.constant 0 : i32
          %dma_wait3A_83 = tpu.memref_slice %arg12[%run_scoped3A_68, %dma_wait3A_82] : memref<2x128xi32, #tpu.memory_space<vmem>> -> memref<1x128xi32, #tpu.memory_space<vmem>>
          %dma_wait3A_84 = tpu.memref_squeeze %dma_wait3A_83 : memref<1x128xi32, #tpu.memory_space<vmem>> -> memref<128xi32, #tpu.memory_space<vmem>>
          %dma_wait3A_85 = arith.constant 0 : i32
          %dma_wait3A_86 = arith.constant 0 : i32
          %dma_wait3A_87 = tpu.memref_slice %arg14[%dma_wait3A_85, %dma_wait3A_86] : memref<64x128xf32, #tpu.memory_space<vmem_shared>> -> memref<64x128xf32, #tpu.memory_space<vmem_shared>>
          tpu.wait_indirect_dma semaphore(%run_scoped3A_69 : memref<!tpu.dma_semaphore, #tpu.memory_space<semaphore_mem>>) src(%dma_wait3A_81 : memref<128x128xf32, #tpu.memory_space<vmem>>) dst(%dma_wait3A_87 : memref<64x128xf32, #tpu.memory_space<vmem_shared>>)
          tpu.yield
        }) : () -> ()
      } else {
      }
      %scan3A_55 = arith.constant 0 : i32
      scf.yield %scan3A_55 : i32
    }
    %scan3A_13 = arith.constant 40 : i32
    %barrier3A_14 = arith.constant 0 : index
    tpu.barrier barrier_id(%barrier3A_14)
    %eq3A_15 = arith.constant 0 : i32
    %eq3A_16 = arith.cmpi eq, %arg0, %eq3A_15 : i32
    %lt3A = arith.constant 10 : i32
    %lt3A_17 = arith.cmpi slt, %arg1, %lt3A : i32
    %and3A = arith.andi %eq3A_16, %lt3A_17 : i1
    %convert_element_type3A_18 = arith.extui %and3A : i1 to i32
    %cond3A_19 = arith.constant 0 : i32
    %cond3A_20 = arith.cmpi ne, %convert_element_type3A_18, %cond3A_19 : i32
    scf.if %cond3A_20 {
      %mul3A_45 = arith.constant 1000 : i32
      %mul3A_46 = arith.muli %arg1, %mul3A_45 : i32
      %mul3A_47 = arith.constant 1000 : i32
      %mul3A_48 = arith.muli %arg1, %mul3A_47 : i32
      "tpu.region"() ({
        %run_scoped3A = tpu.sem_alloc : memref<!tpu.dma_semaphore, #tpu.memory_space<semaphore_mem>>
        %dma_start3A = arith.constant 0 : i32
        %dma_start3A_49 = tpu.memref_slice %arg6[%mul3A_48, %dma_start3A] : memref<10000x128xf32, #tpu.memory_space<hbm>> -> memref<1000x128xf32, #tpu.memory_space<hbm>>
        %dma_start3A_50 = arith.constant 0 : i32
        %dma_start3A_51 = tpu.memref_slice %arg13[%mul3A_46, %dma_start3A_50] : memref<10000x128xf32, #tpu.memory_space<vmem_shared>> -> memref<1000x128xf32, #tpu.memory_space<vmem_shared>>
        tpu.enqueue_dma source(%dma_start3A_51 : memref<1000x128xf32, #tpu.memory_space<vmem_shared>>) target(%dma_start3A_49 : memref<1000x128xf32, #tpu.memory_space<hbm>>) target_semaphore(%run_scoped3A : memref<!tpu.dma_semaphore, #tpu.memory_space<semaphore_mem>>)
        %dma_wait3A = arith.constant 0 : i32
        %dma_wait3A_52 = tpu.memref_slice %arg6[%mul3A_48, %dma_wait3A] : memref<10000x128xf32, #tpu.memory_space<hbm>> -> memref<1000x128xf32, #tpu.memory_space<hbm>>
        %dma_wait3A_53 = arith.constant 0 : i32
        %dma_wait3A_54 = tpu.memref_slice %arg13[%mul3A_46, %dma_wait3A_53] : memref<10000x128xf32, #tpu.memory_space<vmem_shared>> -> memref<1000x128xf32, #tpu.memory_space<vmem_shared>>
        tpu.wait_dma2 semaphore(%run_scoped3A : memref<!tpu.dma_semaphore, #tpu.memory_space<semaphore_mem>>) src(%dma_wait3A_54 : memref<1000x128xf32, #tpu.memory_space<vmem_shared>>) dst(%dma_wait3A_52 : memref<1000x128xf32, #tpu.memory_space<hbm>>)
        tpu.yield
      }) : () -> ()
    } else {
    }
    %eq3A_21 = arith.constant 1 : i32
    %eq3A_22 = arith.cmpi eq, %arg0, %eq3A_21 : i32
    %lt3A_23 = arith.constant 10 : i32
    %lt3A_24 = arith.cmpi slt, %arg1, %lt3A_23 : i32
    %and3A_25 = arith.andi %eq3A_22, %lt3A_24 : i1
    %convert_element_type3A_26 = arith.extui %and3A_25 : i1 to i32
    %cond3A_27 = arith.constant 0 : i32
    %cond3A_28 = arith.cmpi ne, %convert_element_type3A_26, %cond3A_27 : i32
    scf.if %cond3A_28 {
      %mul3A_45 = arith.constant 1000 : i32
      %mul3A_46 = arith.muli %arg1, %mul3A_45 : i32
      %mul3A_47 = arith.constant 1000 : i32
      %mul3A_48 = arith.muli %arg1, %mul3A_47 : i32
      "tpu.region"() ({
        %run_scoped3A = tpu.sem_alloc : memref<!tpu.dma_semaphore, #tpu.memory_space<semaphore_mem>>
        %dma_start3A = arith.constant 0 : i32
        %dma_start3A_49 = tpu.memref_slice %arg7[%mul3A_48, %dma_start3A] : memref<10000x128xf32, #tpu.memory_space<hbm>> -> memref<1000x128xf32, #tpu.memory_space<hbm>>
        %dma_start3A_50 = arith.constant 0 : i32
        %dma_start3A_51 = tpu.memref_slice %arg13[%mul3A_46, %dma_start3A_50] : memref<10000x128xf32, #tpu.memory_space<vmem_shared>> -> memref<1000x128xf32, #tpu.memory_space<vmem_shared>>
        tpu.enqueue_dma source(%dma_start3A_51 : memref<1000x128xf32, #tpu.memory_space<vmem_shared>>) target(%dma_start3A_49 : memref<1000x128xf32, #tpu.memory_space<hbm>>) target_semaphore(%run_scoped3A : memref<!tpu.dma_semaphore, #tpu.memory_space<semaphore_mem>>)
        %dma_wait3A = arith.constant 0 : i32
        %dma_wait3A_52 = tpu.memref_slice %arg7[%mul3A_48, %dma_wait3A] : memref<10000x128xf32, #tpu.memory_space<hbm>> -> memref<1000x128xf32, #tpu.memory_space<hbm>>
        %dma_wait3A_53 = arith.constant 0 : i32
        %dma_wait3A_54 = tpu.memref_slice %arg13[%mul3A_46, %dma_wait3A_53] : memref<10000x128xf32, #tpu.memory_space<vmem_shared>> -> memref<1000x128xf32, #tpu.memory_space<vmem_shared>>
        tpu.wait_dma2 semaphore(%run_scoped3A : memref<!tpu.dma_semaphore, #tpu.memory_space<semaphore_mem>>) src(%dma_wait3A_54 : memref<1000x128xf32, #tpu.memory_space<vmem_shared>>) dst(%dma_wait3A_52 : memref<1000x128xf32, #tpu.memory_space<hbm>>)
        tpu.yield
      }) : () -> ()
    } else {
    }
    %eq3A_29 = arith.constant 0 : i32
    %eq3A_30 = arith.cmpi eq, %arg0, %eq3A_29 : i32
    %eq3A_31 = arith.constant 10 : i32
    %eq3A_32 = arith.cmpi eq, %arg1, %eq3A_31 : i32
    %and3A_33 = arith.andi %eq3A_30, %eq3A_32 : i1
    %convert_element_type3A_34 = arith.extui %and3A_33 : i1 to i32
    %cond3A_35 = arith.constant 0 : i32
    %cond3A_36 = arith.cmpi ne, %convert_element_type3A_34, %cond3A_35 : i32
    scf.if %cond3A_36 {
      "tpu.region"() ({
        %run_scoped3A = tpu.sem_alloc : memref<!tpu.dma_semaphore, #tpu.memory_space<semaphore_mem>>
        tpu.enqueue_dma source(%arg14 : memref<64x128xf32, #tpu.memory_space<vmem_shared>>) target(%arg8 : memref<64x128xf32, #tpu.memory_space<hbm>>) target_semaphore(%run_scoped3A : memref<!tpu.dma_semaphore, #tpu.memory_space<semaphore_mem>>)
        tpu.wait_dma2 semaphore(%run_scoped3A : memref<!tpu.dma_semaphore, #tpu.memory_space<semaphore_mem>>) src(%arg14 : memref<64x128xf32, #tpu.memory_space<vmem_shared>>) dst(%arg8 : memref<64x128xf32, #tpu.memory_space<hbm>>)
        tpu.yield
      }) : () -> ()
    } else {
    }
    %eq3A_37 = arith.constant 1 : i32
    %eq3A_38 = arith.cmpi eq, %arg0, %eq3A_37 : i32
    %eq3A_39 = arith.constant 10 : i32
    %eq3A_40 = arith.cmpi eq, %arg1, %eq3A_39 : i32
    %and3A_41 = arith.andi %eq3A_38, %eq3A_40 : i1
    %convert_element_type3A_42 = arith.extui %and3A_41 : i1 to i32
    %cond3A_43 = arith.constant 0 : i32
    %cond3A_44 = arith.cmpi ne, %convert_element_type3A_42, %cond3A_43 : i32
    scf.if %cond3A_44 {
      "tpu.region"() ({
        %run_scoped3A = tpu.sem_alloc : memref<!tpu.dma_semaphore, #tpu.memory_space<semaphore_mem>>
        tpu.enqueue_dma source(%arg14 : memref<64x128xf32, #tpu.memory_space<vmem_shared>>) target(%arg9 : memref<64x128xf32, #tpu.memory_space<hbm>>) target_semaphore(%run_scoped3A : memref<!tpu.dma_semaphore, #tpu.memory_space<semaphore_mem>>)
        tpu.wait_dma2 semaphore(%run_scoped3A : memref<!tpu.dma_semaphore, #tpu.memory_space<semaphore_mem>>) src(%arg14 : memref<64x128xf32, #tpu.memory_space<vmem_shared>>) dst(%arg9 : memref<64x128xf32, #tpu.memory_space<hbm>>)
        tpu.yield
      }) : () -> ()
    } else {
    }
    return
  }
}

#map = affine_map<(d0, d1) -> (0, 0)>
#map1 = affine_map<(d0, d1) -> (0)>
module attributes {stable_mosaic.version = 14 : i64} {
  func.func @_sc_gather_body(%arg0: i32, %arg1: i32, %arg2: memref<10000x128xf32, #tpu.memory_space<hbm>>, %arg3: memref<10000x128xf32, #tpu.memory_space<hbm>>, %arg4: memref<2560x128xi32, #tpu.memory_space<hbm>>, %arg5: memref<2560x128xi32, #tpu.memory_space<hbm>>, %arg6: memref<10000xi32, #tpu.memory_space<hbm>>, %arg7: memref<327680x128xf32, #tpu.memory_space<hbm>>, %arg8: memref<327680x128xf32, #tpu.memory_space<hbm>>, %arg9: memref<2560x128xi32, #tpu.memory_space<hbm>>, %arg10: memref<2x128xi32, #tpu.memory_space<vmem>>, %arg11: memref<2x128xi32, #tpu.memory_space<vmem>>, %arg12: memref<256x128xf32, #tpu.memory_space<vmem>>, %arg13: memref<256x128xf32, #tpu.memory_space<vmem>>, %arg14: memref<2x128xi32, #tpu.memory_space<vmem>>, %arg15: memref<10000xi32, #tpu.memory_space<vmem>>, %arg16: memref<!tpu.dma_semaphore, #tpu.memory_space<semaphore_mem>>, %arg17: memref<!tpu.dma_semaphore, #tpu.memory_space<semaphore_mem>>) attributes {dimension_semantics = [#tpu.dimension_semantics<core_parallel>, #tpu.dimension_semantics<subcore_parallel>], iteration_bounds = array<i64: 2, 16>, scalar_prefetch = 0 : i64, scratch_operands = 8 : i64, tpu.core_type = #tpu.core_type<sc_vector_subcore>, window_params = [{transform_indices = #map}, {transform_indices = #map}, {transform_indices = #map}, {transform_indices = #map}, {transform_indices = #map1}, {transform_indices = #map}, {transform_indices = #map}, {transform_indices = #map}]} {
    %mul3A = arith.constant 2 : i32
    %mul3A_0 = arith.muli %arg1, %mul3A : i32
    %add3A = arith.addi %mul3A_0, %arg0 : i32
    "tpu.region"() ({
      %run_scoped3A = tpu.sem_alloc : memref<!tpu.dma_semaphore, #tpu.memory_space<semaphore_mem>>
      tpu.enqueue_dma source(%arg6 : memref<10000xi32, #tpu.memory_space<hbm>>) target(%arg15 : memref<10000xi32, #tpu.memory_space<vmem>>) target_semaphore(%run_scoped3A : memref<!tpu.dma_semaphore, #tpu.memory_space<semaphore_mem>>)
      tpu.wait_dma2 semaphore(%run_scoped3A : memref<!tpu.dma_semaphore, #tpu.memory_space<semaphore_mem>>) src(%arg6 : memref<10000xi32, #tpu.memory_space<hbm>>) dst(%arg15 : memref<10000xi32, #tpu.memory_space<vmem>>)
      tpu.yield
    }) : () -> ()
    %scan3A = arith.constant 0 : i32
    %scan3A_1 = arith.constant 0 : i32
    %scan3A_2 = arith.constant 40 : i32
    %scan3A_3 = arith.addi %scan3A_1, %scan3A_2 : i32
    %scan3A_4 = arith.constant 1 : i32
    %scan3A_5 = scf.for %scan3A_7 = %scan3A_1 to %scan3A_3 step %scan3A_4 iter_args(%scan3A_8 = %scan3A) -> (i32)  : i32 {
      %mul3A_9 = arith.constant 32 : i32
      %mul3A_10 = arith.muli %scan3A_7, %mul3A_9 : i32
      %add3A_11 = arith.addi %mul3A_10, %add3A : i32
      %mul3A_12 = arith.constant 2 : i32
      %mul3A_13 = arith.muli %add3A_11, %mul3A_12 : i32
      %mul3A_14 = arith.constant 256 : i32
      %mul3A_15 = arith.muli %add3A_11, %mul3A_14 : i32
      "tpu.region"() ({
        %run_scoped3A = tpu.sem_alloc : memref<!tpu.dma_semaphore, #tpu.memory_space<semaphore_mem>>
        %dma_start3A_252 = arith.constant 0 : i32
        %dma_start3A_253 = tpu.memref_slice %arg4[%mul3A_13, %dma_start3A_252] : memref<2560x128xi32, #tpu.memory_space<hbm>> -> memref<2x128xi32, #tpu.memory_space<hbm>>
        %dma_start3A_254 = arith.constant 0 : i32
        %dma_start3A_255 = tpu.memref_slice %arg4[%mul3A_13, %dma_start3A_254] : memref<2560x128xi32, #tpu.memory_space<hbm>> -> memref<2x128xi32, #tpu.memory_space<hbm>>
        tpu.enqueue_dma source(%dma_start3A_255 : memref<2x128xi32, #tpu.memory_space<hbm>>) target(%arg10 : memref<2x128xi32, #tpu.memory_space<vmem>>) target_semaphore(%run_scoped3A : memref<!tpu.dma_semaphore, #tpu.memory_space<semaphore_mem>>)
        %dma_wait3A_256 = arith.constant 0 : i32
        %dma_wait3A_257 = tpu.memref_slice %arg4[%mul3A_13, %dma_wait3A_256] : memref<2560x128xi32, #tpu.memory_space<hbm>> -> memref<2x128xi32, #tpu.memory_space<hbm>>
        %dma_wait3A_258 = arith.constant 0 : i32
        %dma_wait3A_259 = tpu.memref_slice %arg4[%mul3A_13, %dma_wait3A_258] : memref<2560x128xi32, #tpu.memory_space<hbm>> -> memref<2x128xi32, #tpu.memory_space<hbm>>
        tpu.wait_dma2 semaphore(%run_scoped3A : memref<!tpu.dma_semaphore, #tpu.memory_space<semaphore_mem>>) src(%dma_wait3A_259 : memref<2x128xi32, #tpu.memory_space<hbm>>) dst(%arg10 : memref<2x128xi32, #tpu.memory_space<vmem>>)
        tpu.yield
      }) : () -> ()
      "tpu.region"() ({
        %run_scoped3A = tpu.sem_alloc : memref<!tpu.dma_semaphore, #tpu.memory_space<semaphore_mem>>
        %dma_start3A_252 = arith.constant 0 : i32
        %dma_start3A_253 = tpu.memref_slice %arg5[%mul3A_13, %dma_start3A_252] : memref<2560x128xi32, #tpu.memory_space<hbm>> -> memref<2x128xi32, #tpu.memory_space<hbm>>
        %dma_start3A_254 = arith.constant 0 : i32
        %dma_start3A_255 = tpu.memref_slice %arg5[%mul3A_13, %dma_start3A_254] : memref<2560x128xi32, #tpu.memory_space<hbm>> -> memref<2x128xi32, #tpu.memory_space<hbm>>
        tpu.enqueue_dma source(%dma_start3A_255 : memref<2x128xi32, #tpu.memory_space<hbm>>) target(%arg11 : memref<2x128xi32, #tpu.memory_space<vmem>>) target_semaphore(%run_scoped3A : memref<!tpu.dma_semaphore, #tpu.memory_space<semaphore_mem>>)
        %dma_wait3A_256 = arith.constant 0 : i32
        %dma_wait3A_257 = tpu.memref_slice %arg5[%mul3A_13, %dma_wait3A_256] : memref<2560x128xi32, #tpu.memory_space<hbm>> -> memref<2x128xi32, #tpu.memory_space<hbm>>
        %dma_wait3A_258 = arith.constant 0 : i32
        %dma_wait3A_259 = tpu.memref_slice %arg5[%mul3A_13, %dma_wait3A_258] : memref<2560x128xi32, #tpu.memory_space<hbm>> -> memref<2x128xi32, #tpu.memory_space<hbm>>
        tpu.wait_dma2 semaphore(%run_scoped3A : memref<!tpu.dma_semaphore, #tpu.memory_space<semaphore_mem>>) src(%dma_wait3A_259 : memref<2x128xi32, #tpu.memory_space<hbm>>) dst(%arg11 : memref<2x128xi32, #tpu.memory_space<vmem>>)
        tpu.yield
      }) : () -> ()
      %dma_start3A = arith.constant 0 : i32
      %dma_start3A_16 = arith.constant 0 : i32
      %dma_start3A_17 = arith.constant 0 : i32
      %dma_start3A_18 = tpu.memref_slice %arg12[%dma_start3A_16, %dma_start3A_17] : memref<256x128xf32, #tpu.memory_space<vmem>> -> memref<128x128xf32, #tpu.memory_space<vmem>>
      %dma_start3A_19 = arith.constant 0 : i32
      %dma_start3A_20 = tpu.memref_slice %arg10[%dma_start3A, %dma_start3A_19] : memref<2x128xi32, #tpu.memory_space<vmem>> -> memref<1x128xi32, #tpu.memory_space<vmem>>
      %dma_start3A_21 = tpu.memref_squeeze %dma_start3A_20 : memref<1x128xi32, #tpu.memory_space<vmem>> -> memref<128xi32, #tpu.memory_space<vmem>>
      %dma_start3A_22 = arith.constant 0 : i32
      %dma_start3A_23 = arith.constant 0 : i32
      %dma_start3A_24 = tpu.memref_slice %arg2[%dma_start3A_22, %dma_start3A_23] : memref<10000x128xf32, #tpu.memory_space<hbm>> -> memref<10000x128xf32, #tpu.memory_space<hbm>>
      tpu.enqueue_indirect_dma source(%dma_start3A_24 : memref<10000x128xf32, #tpu.memory_space<hbm>>) target(%dma_start3A_18 : memref<128x128xf32, #tpu.memory_space<vmem>>) offsets(%dma_start3A_21 : memref<128xi32, #tpu.memory_space<vmem>>) semaphore(%arg16 : memref<!tpu.dma_semaphore, #tpu.memory_space<semaphore_mem>>)
      %dma_start3A_25 = arith.constant 1 : i32
      %dma_start3A_26 = arith.constant 128 : i32
      %dma_start3A_27 = arith.constant 0 : i32
      %dma_start3A_28 = tpu.memref_slice %arg12[%dma_start3A_26, %dma_start3A_27] : memref<256x128xf32, #tpu.memory_space<vmem>> -> memref<128x128xf32, #tpu.memory_space<vmem>>
      %dma_start3A_29 = arith.constant 0 : i32
      %dma_start3A_30 = tpu.memref_slice %arg10[%dma_start3A_25, %dma_start3A_29] : memref<2x128xi32, #tpu.memory_space<vmem>> -> memref<1x128xi32, #tpu.memory_space<vmem>>
      %dma_start3A_31 = tpu.memref_squeeze %dma_start3A_30 : memref<1x128xi32, #tpu.memory_space<vmem>> -> memref<128xi32, #tpu.memory_space<vmem>>
      %dma_start3A_32 = arith.constant 0 : i32
      %dma_start3A_33 = arith.constant 0 : i32
      %dma_start3A_34 = tpu.memref_slice %arg2[%dma_start3A_32, %dma_start3A_33] : memref<10000x128xf32, #tpu.memory_space<hbm>> -> memref<10000x128xf32, #tpu.memory_space<hbm>>
      tpu.enqueue_indirect_dma source(%dma_start3A_34 : memref<10000x128xf32, #tpu.memory_space<hbm>>) target(%dma_start3A_28 : memref<128x128xf32, #tpu.memory_space<vmem>>) offsets(%dma_start3A_31 : memref<128xi32, #tpu.memory_space<vmem>>) semaphore(%arg16 : memref<!tpu.dma_semaphore, #tpu.memory_space<semaphore_mem>>)
      %dma_start3A_35 = arith.constant 0 : i32
      %dma_start3A_36 = arith.constant 0 : i32
      %dma_start3A_37 = arith.constant 0 : i32
      %dma_start3A_38 = tpu.memref_slice %arg13[%dma_start3A_36, %dma_start3A_37] : memref<256x128xf32, #tpu.memory_space<vmem>> -> memref<128x128xf32, #tpu.memory_space<vmem>>
      %dma_start3A_39 = arith.constant 0 : i32
      %dma_start3A_40 = tpu.memref_slice %arg11[%dma_start3A_35, %dma_start3A_39] : memref<2x128xi32, #tpu.memory_space<vmem>> -> memref<1x128xi32, #tpu.memory_space<vmem>>
      %dma_start3A_41 = tpu.memref_squeeze %dma_start3A_40 : memref<1x128xi32, #tpu.memory_space<vmem>> -> memref<128xi32, #tpu.memory_space<vmem>>
      %dma_start3A_42 = arith.constant 0 : i32
      %dma_start3A_43 = arith.constant 0 : i32
      %dma_start3A_44 = tpu.memref_slice %arg3[%dma_start3A_42, %dma_start3A_43] : memref<10000x128xf32, #tpu.memory_space<hbm>> -> memref<10000x128xf32, #tpu.memory_space<hbm>>
      tpu.enqueue_indirect_dma source(%dma_start3A_44 : memref<10000x128xf32, #tpu.memory_space<hbm>>) target(%dma_start3A_38 : memref<128x128xf32, #tpu.memory_space<vmem>>) offsets(%dma_start3A_41 : memref<128xi32, #tpu.memory_space<vmem>>) semaphore(%arg16 : memref<!tpu.dma_semaphore, #tpu.memory_space<semaphore_mem>>)
      %dma_start3A_45 = arith.constant 1 : i32
      %dma_start3A_46 = arith.constant 128 : i32
      %dma_start3A_47 = arith.constant 0 : i32
      %dma_start3A_48 = tpu.memref_slice %arg13[%dma_start3A_46, %dma_start3A_47] : memref<256x128xf32, #tpu.memory_space<vmem>> -> memref<128x128xf32, #tpu.memory_space<vmem>>
      %dma_start3A_49 = arith.constant 0 : i32
      %dma_start3A_50 = tpu.memref_slice %arg11[%dma_start3A_45, %dma_start3A_49] : memref<2x128xi32, #tpu.memory_space<vmem>> -> memref<1x128xi32, #tpu.memory_space<vmem>>
      %dma_start3A_51 = tpu.memref_squeeze %dma_start3A_50 : memref<1x128xi32, #tpu.memory_space<vmem>> -> memref<128xi32, #tpu.memory_space<vmem>>
      %dma_start3A_52 = arith.constant 0 : i32
      %dma_start3A_53 = arith.constant 0 : i32
      %dma_start3A_54 = tpu.memref_slice %arg3[%dma_start3A_52, %dma_start3A_53] : memref<10000x128xf32, #tpu.memory_space<hbm>> -> memref<10000x128xf32, #tpu.memory_space<hbm>>
      tpu.enqueue_indirect_dma source(%dma_start3A_54 : memref<10000x128xf32, #tpu.memory_space<hbm>>) target(%dma_start3A_48 : memref<128x128xf32, #tpu.memory_space<vmem>>) offsets(%dma_start3A_51 : memref<128xi32, #tpu.memory_space<vmem>>) semaphore(%arg16 : memref<!tpu.dma_semaphore, #tpu.memory_space<semaphore_mem>>)
      %get3A = arith.constant 0 : i32
      %get3A_55 = arith.index_cast %get3A : i32 to index
      %get3A_56 = arith.constant 0 : index
      %get3A_57 = tpu.vector_load %arg10[%get3A_55, %get3A_56] {strides = array<i32>} : memref<2x128xi32, #tpu.memory_space<vmem>>, vector<16xi32>,
      %gather3A = tpu.vector_load_idx %arg15[%get3A_57] : memref<10000xi32, #tpu.memory_space<vmem>>[vector<16xi32>], vector<16xi32>,
      %swap3A = arith.constant 0 : i32
      %swap3A_58 = arith.index_cast %swap3A : i32 to index
      %swap3A_59 = arith.constant 0 : index
      %swap3A_60 = tpu.vector_load %arg14[%swap3A_58, %swap3A_59] {strides = array<i32>} : memref<2x128xi32, #tpu.memory_space<vmem>>, vector<16xi32>,
      tpu.vector_store %arg14[%swap3A_58, %swap3A_59], %gather3A {strides = array<i32>} : memref<2x128xi32, #tpu.memory_space<vmem>>, vector<16xi32>,
      %get3A_61 = arith.constant 0 : i32
      %get3A_62 = arith.index_cast %get3A_61 : i32 to index
      %get3A_63 = arith.constant 16 : index
      %get3A_64 = tpu.vector_load %arg10[%get3A_62, %get3A_63] {strides = array<i32>} : memref<2x128xi32, #tpu.memory_space<vmem>>, vector<16xi32>,
      %gather3A_65 = tpu.vector_load_idx %arg15[%get3A_64] : memref<10000xi32, #tpu.memory_space<vmem>>[vector<16xi32>], vector<16xi32>,
      %swap3A_66 = arith.constant 0 : i32
      %swap3A_67 = arith.index_cast %swap3A_66 : i32 to index
      %swap3A_68 = arith.constant 16 : index
      %swap3A_69 = tpu.vector_load %arg14[%swap3A_67, %swap3A_68] {strides = array<i32>} : memref<2x128xi32, #tpu.memory_space<vmem>>, vector<16xi32>,
      tpu.vector_store %arg14[%swap3A_67, %swap3A_68], %gather3A_65 {strides = array<i32>} : memref<2x128xi32, #tpu.memory_space<vmem>>, vector<16xi32>,
      %get3A_70 = arith.constant 0 : i32
      %get3A_71 = arith.index_cast %get3A_70 : i32 to index
      %get3A_72 = arith.constant 32 : index
      %get3A_73 = tpu.vector_load %arg10[%get3A_71, %get3A_72] {strides = array<i32>} : memref<2x128xi32, #tpu.memory_space<vmem>>, vector<16xi32>,
      %gather3A_74 = tpu.vector_load_idx %arg15[%get3A_73] : memref<10000xi32, #tpu.memory_space<vmem>>[vector<16xi32>], vector<16xi32>,
      %swap3A_75 = arith.constant 0 : i32
      %swap3A_76 = arith.index_cast %swap3A_75 : i32 to index
      %swap3A_77 = arith.constant 32 : index
      %swap3A_78 = tpu.vector_load %arg14[%swap3A_76, %swap3A_77] {strides = array<i32>} : memref<2x128xi32, #tpu.memory_space<vmem>>, vector<16xi32>,
      tpu.vector_store %arg14[%swap3A_76, %swap3A_77], %gather3A_74 {strides = array<i32>} : memref<2x128xi32, #tpu.memory_space<vmem>>, vector<16xi32>,
      %get3A_79 = arith.constant 0 : i32
      %get3A_80 = arith.index_cast %get3A_79 : i32 to index
      %get3A_81 = arith.constant 48 : index
      %get3A_82 = tpu.vector_load %arg10[%get3A_80, %get3A_81] {strides = array<i32>} : memref<2x128xi32, #tpu.memory_space<vmem>>, vector<16xi32>,
      %gather3A_83 = tpu.vector_load_idx %arg15[%get3A_82] : memref<10000xi32, #tpu.memory_space<vmem>>[vector<16xi32>], vector<16xi32>,
      %swap3A_84 = arith.constant 0 : i32
      %swap3A_85 = arith.index_cast %swap3A_84 : i32 to index
      %swap3A_86 = arith.constant 48 : index
      %swap3A_87 = tpu.vector_load %arg14[%swap3A_85, %swap3A_86] {strides = array<i32>} : memref<2x128xi32, #tpu.memory_space<vmem>>, vector<16xi32>,
      tpu.vector_store %arg14[%swap3A_85, %swap3A_86], %gather3A_83 {strides = array<i32>} : memref<2x128xi32, #tpu.memory_space<vmem>>, vector<16xi32>,
      %get3A_88 = arith.constant 0 : i32
      %get3A_89 = arith.index_cast %get3A_88 : i32 to index
      %get3A_90 = arith.constant 64 : index
      %get3A_91 = tpu.vector_load %arg10[%get3A_89, %get3A_90] {strides = array<i32>} : memref<2x128xi32, #tpu.memory_space<vmem>>, vector<16xi32>,
      %gather3A_92 = tpu.vector_load_idx %arg15[%get3A_91] : memref<10000xi32, #tpu.memory_space<vmem>>[vector<16xi32>], vector<16xi32>,
      %swap3A_93 = arith.constant 0 : i32
      %swap3A_94 = arith.index_cast %swap3A_93 : i32 to index
      %swap3A_95 = arith.constant 64 : index
      %swap3A_96 = tpu.vector_load %arg14[%swap3A_94, %swap3A_95] {strides = array<i32>} : memref<2x128xi32, #tpu.memory_space<vmem>>, vector<16xi32>,
      tpu.vector_store %arg14[%swap3A_94, %swap3A_95], %gather3A_92 {strides = array<i32>} : memref<2x128xi32, #tpu.memory_space<vmem>>, vector<16xi32>,
      %get3A_97 = arith.constant 0 : i32
      %get3A_98 = arith.index_cast %get3A_97 : i32 to index
      %get3A_99 = arith.constant 80 : index
      %get3A_100 = tpu.vector_load %arg10[%get3A_98, %get3A_99] {strides = array<i32>} : memref<2x128xi32, #tpu.memory_space<vmem>>, vector<16xi32>,
      %gather3A_101 = tpu.vector_load_idx %arg15[%get3A_100] : memref<10000xi32, #tpu.memory_space<vmem>>[vector<16xi32>], vector<16xi32>,
      %swap3A_102 = arith.constant 0 : i32
      %swap3A_103 = arith.index_cast %swap3A_102 : i32 to index
      %swap3A_104 = arith.constant 80 : index
      %swap3A_105 = tpu.vector_load %arg14[%swap3A_103, %swap3A_104] {strides = array<i32>} : memref<2x128xi32, #tpu.memory_space<vmem>>, vector<16xi32>,
      tpu.vector_store %arg14[%swap3A_103, %swap3A_104], %gather3A_101 {strides = array<i32>} : memref<2x128xi32, #tpu.memory_space<vmem>>, vector<16xi32>,
      %get3A_106 = arith.constant 0 : i32
      %get3A_107 = arith.index_cast %get3A_106 : i32 to index
      %get3A_108 = arith.constant 96 : index
      %get3A_109 = tpu.vector_load %arg10[%get3A_107, %get3A_108] {strides = array<i32>} : memref<2x128xi32, #tpu.memory_space<vmem>>, vector<16xi32>,
      %gather3A_110 = tpu.vector_load_idx %arg15[%get3A_109] : memref<10000xi32, #tpu.memory_space<vmem>>[vector<16xi32>], vector<16xi32>,
      %swap3A_111 = arith.constant 0 : i32
      %swap3A_112 = arith.index_cast %swap3A_111 : i32 to index
      %swap3A_113 = arith.constant 96 : index
      %swap3A_114 = tpu.vector_load %arg14[%swap3A_112, %swap3A_113] {strides = array<i32>} : memref<2x128xi32, #tpu.memory_space<vmem>>, vector<16xi32>,
      tpu.vector_store %arg14[%swap3A_112, %swap3A_113], %gather3A_110 {strides = array<i32>} : memref<2x128xi32, #tpu.memory_space<vmem>>, vector<16xi32>,
      %get3A_115 = arith.constant 0 : i32
      %get3A_116 = arith.index_cast %get3A_115 : i32 to index
      %get3A_117 = arith.constant 112 : index
      %get3A_118 = tpu.vector_load %arg10[%get3A_116, %get3A_117] {strides = array<i32>} : memref<2x128xi32, #tpu.memory_space<vmem>>, vector<16xi32>,
      %gather3A_119 = tpu.vector_load_idx %arg15[%get3A_118] : memref<10000xi32, #tpu.memory_space<vmem>>[vector<16xi32>], vector<16xi32>,
      %swap3A_120 = arith.constant 0 : i32
      %swap3A_121 = arith.index_cast %swap3A_120 : i32 to index
      %swap3A_122 = arith.constant 112 : index
      %swap3A_123 = tpu.vector_load %arg14[%swap3A_121, %swap3A_122] {strides = array<i32>} : memref<2x128xi32, #tpu.memory_space<vmem>>, vector<16xi32>,
      tpu.vector_store %arg14[%swap3A_121, %swap3A_122], %gather3A_119 {strides = array<i32>} : memref<2x128xi32, #tpu.memory_space<vmem>>, vector<16xi32>,
      %get3A_124 = arith.constant 1 : i32
      %get3A_125 = arith.index_cast %get3A_124 : i32 to index
      %get3A_126 = arith.constant 0 : index
      %get3A_127 = tpu.vector_load %arg10[%get3A_125, %get3A_126] {strides = array<i32>} : memref<2x128xi32, #tpu.memory_space<vmem>>, vector<16xi32>,
      %gather3A_128 = tpu.vector_load_idx %arg15[%get3A_127] : memref<10000xi32, #tpu.memory_space<vmem>>[vector<16xi32>], vector<16xi32>,
      %swap3A_129 = arith.constant 1 : i32
      %swap3A_130 = arith.index_cast %swap3A_129 : i32 to index
      %swap3A_131 = arith.constant 0 : index
      %swap3A_132 = tpu.vector_load %arg14[%swap3A_130, %swap3A_131] {strides = array<i32>} : memref<2x128xi32, #tpu.memory_space<vmem>>, vector<16xi32>,
      tpu.vector_store %arg14[%swap3A_130, %swap3A_131], %gather3A_128 {strides = array<i32>} : memref<2x128xi32, #tpu.memory_space<vmem>>, vector<16xi32>,
      %get3A_133 = arith.constant 1 : i32
      %get3A_134 = arith.index_cast %get3A_133 : i32 to index
      %get3A_135 = arith.constant 16 : index
      %get3A_136 = tpu.vector_load %arg10[%get3A_134, %get3A_135] {strides = array<i32>} : memref<2x128xi32, #tpu.memory_space<vmem>>, vector<16xi32>,
      %gather3A_137 = tpu.vector_load_idx %arg15[%get3A_136] : memref<10000xi32, #tpu.memory_space<vmem>>[vector<16xi32>], vector<16xi32>,
      %swap3A_138 = arith.constant 1 : i32
      %swap3A_139 = arith.index_cast %swap3A_138 : i32 to index
      %swap3A_140 = arith.constant 16 : index
      %swap3A_141 = tpu.vector_load %arg14[%swap3A_139, %swap3A_140] {strides = array<i32>} : memref<2x128xi32, #tpu.memory_space<vmem>>, vector<16xi32>,
      tpu.vector_store %arg14[%swap3A_139, %swap3A_140], %gather3A_137 {strides = array<i32>} : memref<2x128xi32, #tpu.memory_space<vmem>>, vector<16xi32>,
      %get3A_142 = arith.constant 1 : i32
      %get3A_143 = arith.index_cast %get3A_142 : i32 to index
      %get3A_144 = arith.constant 32 : index
      %get3A_145 = tpu.vector_load %arg10[%get3A_143, %get3A_144] {strides = array<i32>} : memref<2x128xi32, #tpu.memory_space<vmem>>, vector<16xi32>,
      %gather3A_146 = tpu.vector_load_idx %arg15[%get3A_145] : memref<10000xi32, #tpu.memory_space<vmem>>[vector<16xi32>], vector<16xi32>,
      %swap3A_147 = arith.constant 1 : i32
      %swap3A_148 = arith.index_cast %swap3A_147 : i32 to index
      %swap3A_149 = arith.constant 32 : index
      %swap3A_150 = tpu.vector_load %arg14[%swap3A_148, %swap3A_149] {strides = array<i32>} : memref<2x128xi32, #tpu.memory_space<vmem>>, vector<16xi32>,
      tpu.vector_store %arg14[%swap3A_148, %swap3A_149], %gather3A_146 {strides = array<i32>} : memref<2x128xi32, #tpu.memory_space<vmem>>, vector<16xi32>,
      %get3A_151 = arith.constant 1 : i32
      %get3A_152 = arith.index_cast %get3A_151 : i32 to index
      %get3A_153 = arith.constant 48 : index
      %get3A_154 = tpu.vector_load %arg10[%get3A_152, %get3A_153] {strides = array<i32>} : memref<2x128xi32, #tpu.memory_space<vmem>>, vector<16xi32>,
      %gather3A_155 = tpu.vector_load_idx %arg15[%get3A_154] : memref<10000xi32, #tpu.memory_space<vmem>>[vector<16xi32>], vector<16xi32>,
      %swap3A_156 = arith.constant 1 : i32
      %swap3A_157 = arith.index_cast %swap3A_156 : i32 to index
      %swap3A_158 = arith.constant 48 : index
      %swap3A_159 = tpu.vector_load %arg14[%swap3A_157, %swap3A_158] {strides = array<i32>} : memref<2x128xi32, #tpu.memory_space<vmem>>, vector<16xi32>,
      tpu.vector_store %arg14[%swap3A_157, %swap3A_158], %gather3A_155 {strides = array<i32>} : memref<2x128xi32, #tpu.memory_space<vmem>>, vector<16xi32>,
      %get3A_160 = arith.constant 1 : i32
      %get3A_161 = arith.index_cast %get3A_160 : i32 to index
      %get3A_162 = arith.constant 64 : index
      %get3A_163 = tpu.vector_load %arg10[%get3A_161, %get3A_162] {strides = array<i32>} : memref<2x128xi32, #tpu.memory_space<vmem>>, vector<16xi32>,
      %gather3A_164 = tpu.vector_load_idx %arg15[%get3A_163] : memref<10000xi32, #tpu.memory_space<vmem>>[vector<16xi32>], vector<16xi32>,
      %swap3A_165 = arith.constant 1 : i32
      %swap3A_166 = arith.index_cast %swap3A_165 : i32 to index
      %swap3A_167 = arith.constant 64 : index
      %swap3A_168 = tpu.vector_load %arg14[%swap3A_166, %swap3A_167] {strides = array<i32>} : memref<2x128xi32, #tpu.memory_space<vmem>>, vector<16xi32>,
      tpu.vector_store %arg14[%swap3A_166, %swap3A_167], %gather3A_164 {strides = array<i32>} : memref<2x128xi32, #tpu.memory_space<vmem>>, vector<16xi32>,
      %get3A_169 = arith.constant 1 : i32
      %get3A_170 = arith.index_cast %get3A_169 : i32 to index
      %get3A_171 = arith.constant 80 : index
      %get3A_172 = tpu.vector_load %arg10[%get3A_170, %get3A_171] {strides = array<i32>} : memref<2x128xi32, #tpu.memory_space<vmem>>, vector<16xi32>,
      %gather3A_173 = tpu.vector_load_idx %arg15[%get3A_172] : memref<10000xi32, #tpu.memory_space<vmem>>[vector<16xi32>], vector<16xi32>,
      %swap3A_174 = arith.constant 1 : i32
      %swap3A_175 = arith.index_cast %swap3A_174 : i32 to index
      %swap3A_176 = arith.constant 80 : index
      %swap3A_177 = tpu.vector_load %arg14[%swap3A_175, %swap3A_176] {strides = array<i32>} : memref<2x128xi32, #tpu.memory_space<vmem>>, vector<16xi32>,
      tpu.vector_store %arg14[%swap3A_175, %swap3A_176], %gather3A_173 {strides = array<i32>} : memref<2x128xi32, #tpu.memory_space<vmem>>, vector<16xi32>,
      %get3A_178 = arith.constant 1 : i32
      %get3A_179 = arith.index_cast %get3A_178 : i32 to index
      %get3A_180 = arith.constant 96 : index
      %get3A_181 = tpu.vector_load %arg10[%get3A_179, %get3A_180] {strides = array<i32>} : memref<2x128xi32, #tpu.memory_space<vmem>>, vector<16xi32>,
      %gather3A_182 = tpu.vector_load_idx %arg15[%get3A_181] : memref<10000xi32, #tpu.memory_space<vmem>>[vector<16xi32>], vector<16xi32>,
      %swap3A_183 = arith.constant 1 : i32
      %swap3A_184 = arith.index_cast %swap3A_183 : i32 to index
      %swap3A_185 = arith.constant 96 : index
      %swap3A_186 = tpu.vector_load %arg14[%swap3A_184, %swap3A_185] {strides = array<i32>} : memref<2x128xi32, #tpu.memory_space<vmem>>, vector<16xi32>,
      tpu.vector_store %arg14[%swap3A_184, %swap3A_185], %gather3A_182 {strides = array<i32>} : memref<2x128xi32, #tpu.memory_space<vmem>>, vector<16xi32>,
      %get3A_187 = arith.constant 1 : i32
      %get3A_188 = arith.index_cast %get3A_187 : i32 to index
      %get3A_189 = arith.constant 112 : index
      %get3A_190 = tpu.vector_load %arg10[%get3A_188, %get3A_189] {strides = array<i32>} : memref<2x128xi32, #tpu.memory_space<vmem>>, vector<16xi32>,
      %gather3A_191 = tpu.vector_load_idx %arg15[%get3A_190] : memref<10000xi32, #tpu.memory_space<vmem>>[vector<16xi32>], vector<16xi32>,
      %swap3A_192 = arith.constant 1 : i32
      %swap3A_193 = arith.index_cast %swap3A_192 : i32 to index
      %swap3A_194 = arith.constant 112 : index
      %swap3A_195 = tpu.vector_load %arg14[%swap3A_193, %swap3A_194] {strides = array<i32>} : memref<2x128xi32, #tpu.memory_space<vmem>>, vector<16xi32>,
      tpu.vector_store %arg14[%swap3A_193, %swap3A_194], %gather3A_191 {strides = array<i32>} : memref<2x128xi32, #tpu.memory_space<vmem>>, vector<16xi32>,
      %dma_wait3A = arith.constant 0 : i32
      %dma_wait3A_196 = arith.constant 0 : i32
      %dma_wait3A_197 = arith.constant 0 : i32
      %dma_wait3A_198 = tpu.memref_slice %arg12[%dma_wait3A_196, %dma_wait3A_197] : memref<256x128xf32, #tpu.memory_space<vmem>> -> memref<128x128xf32, #tpu.memory_space<vmem>>
      %dma_wait3A_199 = arith.constant 0 : i32
      %dma_wait3A_200 = tpu.memref_slice %arg10[%dma_wait3A, %dma_wait3A_199] : memref<2x128xi32, #tpu.memory_space<vmem>> -> memref<1x128xi32, #tpu.memory_space<vmem>>
      %dma_wait3A_201 = tpu.memref_squeeze %dma_wait3A_200 : memref<1x128xi32, #tpu.memory_space<vmem>> -> memref<128xi32, #tpu.memory_space<vmem>>
      %dma_wait3A_202 = arith.constant 0 : i32
      %dma_wait3A_203 = arith.constant 0 : i32
      %dma_wait3A_204 = tpu.memref_slice %arg2[%dma_wait3A_202, %dma_wait3A_203] : memref<10000x128xf32, #tpu.memory_space<hbm>> -> memref<10000x128xf32, #tpu.memory_space<hbm>>
      tpu.wait_indirect_dma semaphore(%arg16 : memref<!tpu.dma_semaphore, #tpu.memory_space<semaphore_mem>>) src(%dma_wait3A_204 : memref<10000x128xf32, #tpu.memory_space<hbm>>) dst(%dma_wait3A_198 : memref<128x128xf32, #tpu.memory_space<vmem>>)
      %dma_wait3A_205 = arith.constant 1 : i32
      %dma_wait3A_206 = arith.constant 128 : i32
      %dma_wait3A_207 = arith.constant 0 : i32
      %dma_wait3A_208 = tpu.memref_slice %arg12[%dma_wait3A_206, %dma_wait3A_207] : memref<256x128xf32, #tpu.memory_space<vmem>> -> memref<128x128xf32, #tpu.memory_space<vmem>>
      %dma_wait3A_209 = arith.constant 0 : i32
      %dma_wait3A_210 = tpu.memref_slice %arg10[%dma_wait3A_205, %dma_wait3A_209] : memref<2x128xi32, #tpu.memory_space<vmem>> -> memref<1x128xi32, #tpu.memory_space<vmem>>
      %dma_wait3A_211 = tpu.memref_squeeze %dma_wait3A_210 : memref<1x128xi32, #tpu.memory_space<vmem>> -> memref<128xi32, #tpu.memory_space<vmem>>
      %dma_wait3A_212 = arith.constant 0 : i32
      %dma_wait3A_213 = arith.constant 0 : i32
      %dma_wait3A_214 = tpu.memref_slice %arg2[%dma_wait3A_212, %dma_wait3A_213] : memref<10000x128xf32, #tpu.memory_space<hbm>> -> memref<10000x128xf32, #tpu.memory_space<hbm>>
      tpu.wait_indirect_dma semaphore(%arg16 : memref<!tpu.dma_semaphore, #tpu.memory_space<semaphore_mem>>) src(%dma_wait3A_214 : memref<10000x128xf32, #tpu.memory_space<hbm>>) dst(%dma_wait3A_208 : memref<128x128xf32, #tpu.memory_space<vmem>>)
      %dma_start3A_215 = arith.constant 0 : i32
      %dma_start3A_216 = tpu.memref_slice %arg7[%mul3A_15, %dma_start3A_215] : memref<327680x128xf32, #tpu.memory_space<hbm>> -> memref<256x128xf32, #tpu.memory_space<hbm>>
      %dma_start3A_217 = arith.constant 0 : i32
      %dma_start3A_218 = tpu.memref_slice %arg7[%mul3A_15, %dma_start3A_217] : memref<327680x128xf32, #tpu.memory_space<hbm>> -> memref<256x128xf32, #tpu.memory_space<hbm>>
      tpu.enqueue_dma source(%arg12 : memref<256x128xf32, #tpu.memory_space<vmem>>) target(%dma_start3A_218 : memref<256x128xf32, #tpu.memory_space<hbm>>) target_semaphore(%arg17 : memref<!tpu.dma_semaphore, #tpu.memory_space<semaphore_mem>>)
      %dma_wait3A_219 = arith.constant 0 : i32
      %dma_wait3A_220 = arith.constant 0 : i32
      %dma_wait3A_221 = arith.constant 0 : i32
      %dma_wait3A_222 = tpu.memref_slice %arg13[%dma_wait3A_220, %dma_wait3A_221] : memref<256x128xf32, #tpu.memory_space<vmem>> -> memref<128x128xf32, #tpu.memory_space<vmem>>
      %dma_wait3A_223 = arith.constant 0 : i32
      %dma_wait3A_224 = tpu.memref_slice %arg11[%dma_wait3A_219, %dma_wait3A_223] : memref<2x128xi32, #tpu.memory_space<vmem>> -> memref<1x128xi32, #tpu.memory_space<vmem>>
      %dma_wait3A_225 = tpu.memref_squeeze %dma_wait3A_224 : memref<1x128xi32, #tpu.memory_space<vmem>> -> memref<128xi32, #tpu.memory_space<vmem>>
      %dma_wait3A_226 = arith.constant 0 : i32
      %dma_wait3A_227 = arith.constant 0 : i32
      %dma_wait3A_228 = tpu.memref_slice %arg3[%dma_wait3A_226, %dma_wait3A_227] : memref<10000x128xf32, #tpu.memory_space<hbm>> -> memref<10000x128xf32, #tpu.memory_space<hbm>>
      tpu.wait_indirect_dma semaphore(%arg16 : memref<!tpu.dma_semaphore, #tpu.memory_space<semaphore_mem>>) src(%dma_wait3A_228 : memref<10000x128xf32, #tpu.memory_space<hbm>>) dst(%dma_wait3A_222 : memref<128x128xf32, #tpu.memory_space<vmem>>)
      %dma_wait3A_229 = arith.constant 1 : i32
      %dma_wait3A_230 = arith.constant 128 : i32
      %dma_wait3A_231 = arith.constant 0 : i32
      %dma_wait3A_232 = tpu.memref_slice %arg13[%dma_wait3A_230, %dma_wait3A_231] : memref<256x128xf32, #tpu.memory_space<vmem>> -> memref<128x128xf32, #tpu.memory_space<vmem>>
      %dma_wait3A_233 = arith.constant 0 : i32
      %dma_wait3A_234 = tpu.memref_slice %arg11[%dma_wait3A_229, %dma_wait3A_233] : memref<2x128xi32, #tpu.memory_space<vmem>> -> memref<1x128xi32, #tpu.memory_space<vmem>>
      %dma_wait3A_235 = tpu.memref_squeeze %dma_wait3A_234 : memref<1x128xi32, #tpu.memory_space<vmem>> -> memref<128xi32, #tpu.memory_space<vmem>>
      %dma_wait3A_236 = arith.constant 0 : i32
      %dma_wait3A_237 = arith.constant 0 : i32
      %dma_wait3A_238 = tpu.memref_slice %arg3[%dma_wait3A_236, %dma_wait3A_237] : memref<10000x128xf32, #tpu.memory_space<hbm>> -> memref<10000x128xf32, #tpu.memory_space<hbm>>
      tpu.wait_indirect_dma semaphore(%arg16 : memref<!tpu.dma_semaphore, #tpu.memory_space<semaphore_mem>>) src(%dma_wait3A_238 : memref<10000x128xf32, #tpu.memory_space<hbm>>) dst(%dma_wait3A_232 : memref<128x128xf32, #tpu.memory_space<vmem>>)
      %dma_start3A_239 = arith.constant 0 : i32
      %dma_start3A_240 = tpu.memref_slice %arg8[%mul3A_15, %dma_start3A_239] : memref<327680x128xf32, #tpu.memory_space<hbm>> -> memref<256x128xf32, #tpu.memory_space<hbm>>
      %dma_start3A_241 = arith.constant 0 : i32
      %dma_start3A_242 = tpu.memref_slice %arg8[%mul3A_15, %dma_start3A_241] : memref<327680x128xf32, #tpu.memory_space<hbm>> -> memref<256x128xf32, #tpu.memory_space<hbm>>
      tpu.enqueue_dma source(%arg13 : memref<256x128xf32, #tpu.memory_space<vmem>>) target(%dma_start3A_242 : memref<256x128xf32, #tpu.memory_space<hbm>>) target_semaphore(%arg17 : memref<!tpu.dma_semaphore, #tpu.memory_space<semaphore_mem>>)
      "tpu.region"() ({
        %run_scoped3A = tpu.sem_alloc : memref<!tpu.dma_semaphore, #tpu.memory_space<semaphore_mem>>
        %dma_start3A_252 = arith.constant 0 : i32
        %dma_start3A_253 = tpu.memref_slice %arg9[%mul3A_13, %dma_start3A_252] : memref<2560x128xi32, #tpu.memory_space<hbm>> -> memref<2x128xi32, #tpu.memory_space<hbm>>
        %dma_start3A_254 = arith.constant 0 : i32
        %dma_start3A_255 = tpu.memref_slice %arg9[%mul3A_13, %dma_start3A_254] : memref<2560x128xi32, #tpu.memory_space<hbm>> -> memref<2x128xi32, #tpu.memory_space<hbm>>
        tpu.enqueue_dma source(%arg14 : memref<2x128xi32, #tpu.memory_space<vmem>>) target(%dma_start3A_255 : memref<2x128xi32, #tpu.memory_space<hbm>>) target_semaphore(%run_scoped3A : memref<!tpu.dma_semaphore, #tpu.memory_space<semaphore_mem>>)
        %dma_wait3A_256 = arith.constant 0 : i32
        %dma_wait3A_257 = tpu.memref_slice %arg9[%mul3A_13, %dma_wait3A_256] : memref<2560x128xi32, #tpu.memory_space<hbm>> -> memref<2x128xi32, #tpu.memory_space<hbm>>
        %dma_wait3A_258 = arith.constant 0 : i32
        %dma_wait3A_259 = tpu.memref_slice %arg9[%mul3A_13, %dma_wait3A_258] : memref<2560x128xi32, #tpu.memory_space<hbm>> -> memref<2x128xi32, #tpu.memory_space<hbm>>
        tpu.wait_dma2 semaphore(%run_scoped3A : memref<!tpu.dma_semaphore, #tpu.memory_space<semaphore_mem>>) src(%arg14 : memref<2x128xi32, #tpu.memory_space<vmem>>) dst(%dma_wait3A_259 : memref<2x128xi32, #tpu.memory_space<hbm>>)
        tpu.yield
      }) : () -> ()
      %dma_wait3A_243 = arith.constant 0 : i32
      %dma_wait3A_244 = tpu.memref_slice %arg7[%mul3A_15, %dma_wait3A_243] : memref<327680x128xf32, #tpu.memory_space<hbm>> -> memref<256x128xf32, #tpu.memory_space<hbm>>
      %dma_wait3A_245 = arith.constant 0 : i32
      %dma_wait3A_246 = tpu.memref_slice %arg7[%mul3A_15, %dma_wait3A_245] : memref<327680x128xf32, #tpu.memory_space<hbm>> -> memref<256x128xf32, #tpu.memory_space<hbm>>
      tpu.wait_dma2 semaphore(%arg17 : memref<!tpu.dma_semaphore, #tpu.memory_space<semaphore_mem>>) src(%arg12 : memref<256x128xf32, #tpu.memory_space<vmem>>) dst(%dma_wait3A_246 : memref<256x128xf32, #tpu.memory_space<hbm>>)
      %dma_wait3A_247 = arith.constant 0 : i32
      %dma_wait3A_248 = tpu.memref_slice %arg8[%mul3A_15, %dma_wait3A_247] : memref<327680x128xf32, #tpu.memory_space<hbm>> -> memref<256x128xf32, #tpu.memory_space<hbm>>
      %dma_wait3A_249 = arith.constant 0 : i32
      %dma_wait3A_250 = tpu.memref_slice %arg8[%mul3A_15, %dma_wait3A_249] : memref<327680x128xf32, #tpu.memory_space<hbm>> -> memref<256x128xf32, #tpu.memory_space<hbm>>
      tpu.wait_dma2 semaphore(%arg17 : memref<!tpu.dma_semaphore, #tpu.memory_space<semaphore_mem>>) src(%arg13 : memref<256x128xf32, #tpu.memory_space<vmem>>) dst(%dma_wait3A_250 : memref<256x128xf32, #tpu.memory_space<hbm>>)
      %scan3A_251 = arith.constant 0 : i32
      scf.yield %scan3A_251 : i32
    }
    %scan3A_6 = arith.constant 40 : i32
    return
  }
}

module attributes {stable_mosaic.version = 14 : i64} {
  func.func @_prep_body(%arg0: i32, %arg1: memref<1000x128xf32, #tpu.memory_space<vmem>>, %arg2: memref<1x1x1000xi32, #tpu.memory_space<vmem>>, %arg3: memref<64x128xf32, #tpu.memory_space<vmem>>, %arg4: memref<128x128xf32, #tpu.memory_space<vmem>>, %arg5: memref<128x128xf32, #tpu.memory_space<vmem>>, %arg6: memref<128x128xf32, #tpu.memory_space<vmem>>, %arg7: memref<1x128xf32, #tpu.memory_space<vmem>>, %arg8: memref<128x128xf32, #tpu.memory_space<vmem>>, %arg9: memref<128x128xf32, #tpu.memory_space<vmem>>, %arg10: memref<1x128xf32, #tpu.memory_space<vmem>>, %arg11: memref<1000x128xf32, #tpu.memory_space<vmem>>, %arg12: memref<1000x128xf32, #tpu.memory_space<vmem>>, %arg13: memref<1000x128xf32, #tpu.memory_space<vmem>>) attributes {dimension_semantics = [#tpu.dimension_semantics<arbitrary>], iteration_bounds = array<i64: 10>, scalar_prefetch = 0 : i64, scratch_operands = 0 : i64, tpu.core_type = #tpu.core_type<tc>, window_params = [{transform_indices = @transform_0, window_bounds = array<i64: 1000, 128>}, {transform_indices = @transform_1, window_bounds = array<i64: 1, 1, 1000>}, {pipeline_mode = #tpu.pipeline_mode<synchronous>, transform_indices = @transform_2, window_bounds = array<i64: 64, 128>}, {pipeline_mode = #tpu.pipeline_mode<synchronous>, transform_indices = @transform_3, window_bounds = array<i64: 128, 128>}, {pipeline_mode = #tpu.pipeline_mode<synchronous>, transform_indices = @transform_4, window_bounds = array<i64: 128, 128>}, {pipeline_mode = #tpu.pipeline_mode<synchronous>, transform_indices = @transform_5, window_bounds = array<i64: 128, 128>}, {pipeline_mode = #tpu.pipeline_mode<synchronous>, transform_indices = @transform_6, window_bounds = array<i64: 1, 128>}, {pipeline_mode = #tpu.pipeline_mode<synchronous>, transform_indices = @transform_7, window_bounds = array<i64: 128, 128>}, {pipeline_mode = #tpu.pipeline_mode<synchronous>, transform_indices = @transform_8, window_bounds = array<i64: 128, 128>}, {pipeline_mode = #tpu.pipeline_mode<synchronous>, transform_indices = @transform_9, window_bounds = array<i64: 1, 128>}, {transform_indices = @transform_10, window_bounds = array<i64: 1000, 128>}, {transform_indices = @transform_11, window_bounds = array<i64: 1000, 128>}, {transform_indices = @transform_12, window_bounds = array<i64: 1000, 128>}]} {
    %get3A = arith.constant 0 : index
    %get3A_0 = arith.constant 0 : index
    %get3A_1 = vector.load %arg1[%get3A, %get3A_0] : memref<1000x128xf32, #tpu.memory_space<vmem>>, vector<1000x128xf32>
    %get3A_2 = arith.constant 0 : index
    %get3A_3 = arith.constant 0 : index
    %get3A_4 = vector.load %arg3[%get3A_2, %get3A_3] : memref<64x128xf32, #tpu.memory_space<vmem>>, vector<64x128xf32>
    %get3A_5 = arith.constant 0 : index
    %get3A_6 = arith.constant 0 : index
    %get3A_7 = vector.load %arg6[%get3A_5, %get3A_6] : memref<128x128xf32, #tpu.memory_space<vmem>>, vector<128x128xf32>
    %dot_general3A = arith.constant dense<0.000000e+00> : vector<64x128xf32>
    %dot_general3A_8 = tpu.matmul %get3A_4, %get3A_7, %dot_general3A {dimension_numbers = #tpu.dot_dimension_numbers<[1], [0], [0], [1], [0, 0, 1, 1], [], []>, transpose_lhs_hint = false} : vector<64x128xf32>, vector<128x128xf32>, vector<64x128xf32> -> vector<64x128xf32>
    %get3A_9 = arith.constant 0 : index
    %get3A_10 = arith.constant 0 : index
    %get3A_11 = vector.load %arg7[%get3A_9, %get3A_10] : memref<1x128xf32, #tpu.memory_space<vmem>>, vector<1x128xf32>
    %add3A = vector.broadcast %get3A_11 : vector<1x128xf32> to vector<64x128xf32>
    %add3A_12 = arith.addf %dot_general3A_8, %add3A : vector<64x128xf32>
    %get3A_13 = arith.constant 0 : index
    %get3A_14 = arith.constant 0 : index
    %get3A_15 = vector.load %arg3[%get3A_13, %get3A_14] : memref<64x128xf32, #tpu.memory_space<vmem>>, vector<64x128xf32>
    %get3A_16 = arith.constant 0 : index
    %get3A_17 = arith.constant 0 : index
    %get3A_18 = vector.load %arg9[%get3A_16, %get3A_17] : memref<128x128xf32, #tpu.memory_space<vmem>>, vector<128x128xf32>
    %dot_general3A_19 = arith.constant dense<0.000000e+00> : vector<64x128xf32>
    %dot_general3A_20 = tpu.matmul %get3A_15, %get3A_18, %dot_general3A_19 {dimension_numbers = #tpu.dot_dimension_numbers<[1], [0], [0], [1], [0, 0, 1, 1], [], []>, transpose_lhs_hint = false} : vector<64x128xf32>, vector<128x128xf32>, vector<64x128xf32> -> vector<64x128xf32>
    %get3A_21 = arith.constant 0 : index
    %get3A_22 = arith.constant 0 : index
    %get3A_23 = vector.load %arg10[%get3A_21, %get3A_22] : memref<1x128xf32, #tpu.memory_space<vmem>>, vector<1x128xf32>
    %add3A_24 = vector.broadcast %get3A_23 : vector<1x128xf32> to vector<64x128xf32>
    %add3A_25 = arith.addf %dot_general3A_20, %add3A_24 : vector<64x128xf32>
    %get3A_26 = arith.constant 0 : index
    %get3A_27 = arith.constant 0 : index
    %get3A_28 = arith.constant 0 : index
    %get3A_29 = vector.load %arg2[%get3A_26, %get3A_27, %get3A_28] : memref<1x1x1000xi32, #tpu.memory_space<vmem>>, vector<1x1x1000xi32>
    %get3A_30 = vector.shape_cast %get3A_29 : vector<1x1x1000xi32> to vector<1x1000xi32>
    %broadcast_in_dim3A = vector.shape_cast %get3A_30 : vector<1x1000xi32> to vector<1x1000xi32>
    %broadcast_in_dim3A_31 = vector.broadcast %broadcast_in_dim3A : vector<1x1000xi32> to vector<64x1000xi32>
    %iota3A = tpu.iota {dimensions = array<i32: 0>} : vector<64x1000xi32>
    %eq3A = arith.cmpi eq, %broadcast_in_dim3A_31, %iota3A : vector<64x1000xi32>
    %convert_element_type3A = arith.extui %eq3A : vector<64x1000xi1> to vector<64x1000xi32>
    %convert_element_type3A_32 = arith.sitofp %convert_element_type3A : vector<64x1000xi32> to vector<64x1000xf32>
    %dot_general3A_33 = arith.constant dense<0.000000e+00> : vector<1000x128xf32>
    %dot_general3A_34 = tpu.matmul %convert_element_type3A_32, %add3A_12, %dot_general3A_33 {dimension_numbers = #tpu.dot_dimension_numbers<[0], [0], [1], [1], [0, 1, 1, 1], [], []>, transpose_lhs_hint = false} : vector<64x1000xf32>, vector<64x128xf32>, vector<1000x128xf32> -> vector<1000x128xf32>
    %dot_general3A_35 = arith.constant dense<0.000000e+00> : vector<1000x128xf32>
    %dot_general3A_36 = tpu.matmul %convert_element_type3A_32, %add3A_25, %dot_general3A_35 {dimension_numbers = #tpu.dot_dimension_numbers<[0], [0], [1], [1], [0, 1, 1, 1], [], []>, transpose_lhs_hint = false} : vector<64x1000xf32>, vector<64x128xf32>, vector<1000x128xf32> -> vector<1000x128xf32>
    %get3A_37 = arith.constant 0 : index
    %get3A_38 = arith.constant 0 : index
    %get3A_39 = vector.load %arg4[%get3A_37, %get3A_38] : memref<128x128xf32, #tpu.memory_space<vmem>>, vector<128x128xf32>
    %dot_general3A_40 = arith.constant dense<0.000000e+00> : vector<1000x128xf32>
    %dot_general3A_41 = tpu.matmul %get3A_1, %get3A_39, %dot_general3A_40 {dimension_numbers = #tpu.dot_dimension_numbers<[1], [0], [0], [1], [0, 0, 1, 1], [], []>, transpose_lhs_hint = false} : vector<1000x128xf32>, vector<128x128xf32>, vector<1000x128xf32> -> vector<1000x128xf32>
    %add3A_42 = arith.addf %dot_general3A_41, %dot_general3A_34 : vector<1000x128xf32>
    %swap3A = arith.constant 0 : index
    %swap3A_43 = arith.constant 0 : index
    %swap3A_44 = vector.load %arg11[%swap3A, %swap3A_43] : memref<1000x128xf32, #tpu.memory_space<vmem>>, vector<1000x128xf32>
    tpu.vector_store %arg11[%swap3A, %swap3A_43], %add3A_42 {strides = array<i32>} : memref<1000x128xf32, #tpu.memory_space<vmem>>, vector<1000x128xf32>,
    %get3A_45 = arith.constant 0 : index
    %get3A_46 = arith.constant 0 : index
    %get3A_47 = vector.load %arg5[%get3A_45, %get3A_46] : memref<128x128xf32, #tpu.memory_space<vmem>>, vector<128x128xf32>
    %dot_general3A_48 = arith.constant dense<0.000000e+00> : vector<1000x128xf32>
    %dot_general3A_49 = tpu.matmul %get3A_1, %get3A_47, %dot_general3A_48 {dimension_numbers = #tpu.dot_dimension_numbers<[1], [0], [0], [1], [0, 0, 1, 1], [], []>, transpose_lhs_hint = false} : vector<1000x128xf32>, vector<128x128xf32>, vector<1000x128xf32> -> vector<1000x128xf32>
    %swap3A_50 = arith.constant 0 : index
    %swap3A_51 = arith.constant 0 : index
    %swap3A_52 = vector.load %arg12[%swap3A_50, %swap3A_51] : memref<1000x128xf32, #tpu.memory_space<vmem>>, vector<1000x128xf32>
    tpu.vector_store %arg12[%swap3A_50, %swap3A_51], %dot_general3A_49 {strides = array<i32>} : memref<1000x128xf32, #tpu.memory_space<vmem>>, vector<1000x128xf32>,
    %get3A_53 = arith.constant 0 : index
    %get3A_54 = arith.constant 0 : index
    %get3A_55 = vector.load %arg8[%get3A_53, %get3A_54] : memref<128x128xf32, #tpu.memory_space<vmem>>, vector<128x128xf32>
    %dot_general3A_56 = arith.constant dense<0.000000e+00> : vector<1000x128xf32>
    %dot_general3A_57 = tpu.matmul %get3A_1, %get3A_55, %dot_general3A_56 {dimension_numbers = #tpu.dot_dimension_numbers<[1], [0], [0], [1], [0, 0, 1, 1], [], []>, transpose_lhs_hint = false} : vector<1000x128xf32>, vector<128x128xf32>, vector<1000x128xf32> -> vector<1000x128xf32>
    %add3A_58 = arith.addf %dot_general3A_57, %dot_general3A_36 : vector<1000x128xf32>
    %swap3A_59 = arith.constant 0 : index
    %swap3A_60 = arith.constant 0 : index
    %swap3A_61 = vector.load %arg13[%swap3A_59, %swap3A_60] : memref<1000x128xf32, #tpu.memory_space<vmem>>, vector<1000x128xf32>
    tpu.vector_store %arg13[%swap3A_59, %swap3A_60], %add3A_58 {strides = array<i32>} : memref<1000x128xf32, #tpu.memory_space<vmem>>, vector<1000x128xf32>,
    return
  }
  func.func @transform_0(%arg0: i32) -> (i32, i32) {
    %c0_i32 = arith.constant 0 : i32
    %c0_i32_0 = arith.constant 0 : i32
    return %arg0, %c0_i32 : i32, i32
  }
  func.func @transform_1(%arg0: i32) -> (i32, i32, i32) {
    %c0_i32 = arith.constant 0 : i32
    %c0_i32_0 = arith.constant 0 : i32
    %c0_i32_1 = arith.constant 0 : i32
    return %arg0, %c0_i32, %c0_i32_0 : i32, i32, i32
  }
  func.func @transform_2(%arg0: i32) -> (i32, i32) {
    %c0_i32 = arith.constant 0 : i32
    %c0_i32_0 = arith.constant 0 : i32
    %c0_i32_1 = arith.constant 0 : i32
    return %c0_i32, %c0_i32_0 : i32, i32
  }
  func.func @transform_3(%arg0: i32) -> (i32, i32) {
    %c0_i32 = arith.constant 0 : i32
    %c0_i32_0 = arith.constant 0 : i32
    %c0_i32_1 = arith.constant 0 : i32
    return %c0_i32, %c0_i32_0 : i32, i32
  }
  func.func @transform_4(%arg0: i32) -> (i32, i32) {
    %c0_i32 = arith.constant 0 : i32
    %c0_i32_0 = arith.constant 0 : i32
    %c0_i32_1 = arith.constant 0 : i32
    return %c0_i32, %c0_i32_0 : i32, i32
  }
  func.func @transform_5(%arg0: i32) -> (i32, i32) {
    %c0_i32 = arith.constant 0 : i32
    %c0_i32_0 = arith.constant 0 : i32
    %c0_i32_1 = arith.constant 0 : i32
    return %c0_i32, %c0_i32_0 : i32, i32
  }
  func.func @transform_6(%arg0: i32) -> (i32, i32) {
    %c0_i32 = arith.constant 0 : i32
    %c0_i32_0 = arith.constant 0 : i32
    %c0_i32_1 = arith.constant 0 : i32
    return %c0_i32, %c0_i32_0 : i32, i32
  }
  func.func @transform_7(%arg0: i32) -> (i32, i32) {
    %c0_i32 = arith.constant 0 : i32
    %c0_i32_0 = arith.constant 0 : i32
    %c0_i32_1 = arith.constant 0 : i32
    return %c0_i32, %c0_i32_0 : i32, i32
  }
  func.func @transform_8(%arg0: i32) -> (i32, i32) {
    %c0_i32 = arith.constant 0 : i32
    %c0_i32_0 = arith.constant 0 : i32
    %c0_i32_1 = arith.constant 0 : i32
    return %c0_i32, %c0_i32_0 : i32, i32
  }
  func.func @transform_9(%arg0: i32) -> (i32, i32) {
    %c0_i32 = arith.constant 0 : i32
    %c0_i32_0 = arith.constant 0 : i32
    %c0_i32_1 = arith.constant 0 : i32
    return %c0_i32, %c0_i32_0 : i32, i32
  }
  func.func @transform_10(%arg0: i32) -> (i32, i32) {
    %c0_i32 = arith.constant 0 : i32
    %c0_i32_0 = arith.constant 0 : i32
    return %arg0, %c0_i32 : i32, i32
  }
  func.func @transform_11(%arg0: i32) -> (i32, i32) {
    %c0_i32 = arith.constant 0 : i32
    %c0_i32_0 = arith.constant 0 : i32
    return %arg0, %c0_i32 : i32, i32
  }
  func.func @transform_12(%arg0: i32) -> (i32, i32) {
    %c0_i32 = arith.constant 0 : i32
    %c0_i32_0 = arith.constant 0 : i32
    return %arg0, %c0_i32 : i32, i32
  }
}

module attributes {stable_mosaic.version = 14 : i64} {
  func.func @_edge_body(%arg0: i32, %arg1: memref<2560x128xf32, #tpu.memory_space<vmem>>, %arg2: memref<2560x128xf32, #tpu.memory_space<vmem>>, %arg3: memref<2560x16xf32, #tpu.memory_space<vmem>>, %arg4: memref<1x20x128xi32, #tpu.memory_space<vmem>>, %arg5: memref<16x128xf32, #tpu.memory_space<vmem>>, %arg6: memref<128x128xf32, #tpu.memory_space<vmem>>, %arg7: memref<1x128xf32, #tpu.memory_space<vmem>>, %arg8: memref<128x128xf32, #tpu.memory_space<vmem>>, %arg9: memref<1x128xf32, #tpu.memory_space<vmem>>, %arg10: memref<2560x128xf32, #tpu.memory_space<vmem>>, %arg11: memref<64x128xf32, #tpu.memory_space<vmem>>) attributes {dimension_semantics = [#tpu.dimension_semantics<arbitrary>], iteration_bounds = array<i64: 125>, scalar_prefetch = 0 : i64, scratch_operands = 0 : i64, tpu.core_type = #tpu.core_type<tc>, window_params = [{transform_indices = @transform_0, window_bounds = array<i64: 2560, 128>}, {transform_indices = @transform_1, window_bounds = array<i64: 2560, 128>}, {transform_indices = @transform_2, window_bounds = array<i64: 2560, 16>}, {transform_indices = @transform_3, window_bounds = array<i64: 1, 20, 128>}, {pipeline_mode = #tpu.pipeline_mode<synchronous>, transform_indices = @transform_4, window_bounds = array<i64: 16, 128>}, {pipeline_mode = #tpu.pipeline_mode<synchronous>, transform_indices = @transform_5, window_bounds = array<i64: 128, 128>}, {pipeline_mode = #tpu.pipeline_mode<synchronous>, transform_indices = @transform_6, window_bounds = array<i64: 1, 128>}, {pipeline_mode = #tpu.pipeline_mode<synchronous>, transform_indices = @transform_7, window_bounds = array<i64: 128, 128>}, {pipeline_mode = #tpu.pipeline_mode<synchronous>, transform_indices = @transform_8, window_bounds = array<i64: 1, 128>}, {transform_indices = @transform_9, window_bounds = array<i64: 2560, 128>}, {pipeline_mode = #tpu.pipeline_mode<synchronous>, transform_indices = @transform_10, window_bounds = array<i64: 64, 128>}]} {
    %get3A = arith.constant 0 : index
    %get3A_0 = arith.constant 0 : index
    %get3A_1 = vector.load %arg1[%get3A, %get3A_0] : memref<2560x128xf32, #tpu.memory_space<vmem>>, vector<2560x128xf32>
    %get3A_2 = arith.constant 0 : index
    %get3A_3 = arith.constant 0 : index
    %get3A_4 = vector.load %arg2[%get3A_2, %get3A_3] : memref<2560x128xf32, #tpu.memory_space<vmem>>, vector<2560x128xf32>
    %add3A = arith.addf %get3A_1, %get3A_4 : vector<2560x128xf32>
    %get3A_5 = arith.constant 0 : index
    %get3A_6 = arith.constant 0 : index
    %get3A_7 = vector.load %arg3[%get3A_5, %get3A_6] : memref<2560x16xf32, #tpu.memory_space<vmem>>, vector<2560x16xf32>
    %get3A_8 = arith.constant 0 : index
    %get3A_9 = arith.constant 0 : index
    %get3A_10 = vector.load %arg5[%get3A_8, %get3A_9] : memref<16x128xf32, #tpu.memory_space<vmem>>, vector<16x128xf32>
    %dot_general3A = arith.constant dense<0.000000e+00> : vector<2560x128xf32>
    %dot_general3A_11 = tpu.matmul %get3A_7, %get3A_10, %dot_general3A {dimension_numbers = #tpu.dot_dimension_numbers<[1], [0], [0], [1], [0, 0, 1, 1], [], []>, transpose_lhs_hint = false} : vector<2560x16xf32>, vector<16x128xf32>, vector<2560x128xf32> -> vector<2560x128xf32>
    %add3A_12 = arith.addf %add3A, %dot_general3A_11 : vector<2560x128xf32>
    %max3A = arith.constant 0.000000e+00 : f32
    %max3A_13 = vector.broadcast %max3A : f32 to vector<2560x128xf32>
    %max3A_14 = arith.maximumf %add3A_12, %max3A_13 : vector<2560x128xf32>
    %get3A_15 = arith.constant 0 : index
    %get3A_16 = arith.constant 0 : index
    %get3A_17 = vector.load %arg6[%get3A_15, %get3A_16] : memref<128x128xf32, #tpu.memory_space<vmem>>, vector<128x128xf32>
    %dot_general3A_18 = arith.constant dense<0.000000e+00> : vector<2560x128xf32>
    %dot_general3A_19 = tpu.matmul %max3A_14, %get3A_17, %dot_general3A_18 {dimension_numbers = #tpu.dot_dimension_numbers<[1], [0], [0], [1], [0, 0, 1, 1], [], []>, transpose_lhs_hint = false} : vector<2560x128xf32>, vector<128x128xf32>, vector<2560x128xf32> -> vector<2560x128xf32>
    %get3A_20 = arith.constant 0 : index
    %get3A_21 = arith.constant 0 : index
    %get3A_22 = vector.load %arg7[%get3A_20, %get3A_21] : memref<1x128xf32, #tpu.memory_space<vmem>>, vector<1x128xf32>
    %add3A_23 = vector.broadcast %get3A_22 : vector<1x128xf32> to vector<2560x128xf32>
    %add3A_24 = arith.addf %dot_general3A_19, %add3A_23 : vector<2560x128xf32>
    %max3A_25 = arith.constant 0.000000e+00 : f32
    %max3A_26 = vector.broadcast %max3A_25 : f32 to vector<2560x128xf32>
    %max3A_27 = arith.maximumf %add3A_24, %max3A_26 : vector<2560x128xf32>
    %get3A_28 = arith.constant 0 : index
    %get3A_29 = arith.constant 0 : index
    %get3A_30 = vector.load %arg8[%get3A_28, %get3A_29] : memref<128x128xf32, #tpu.memory_space<vmem>>, vector<128x128xf32>
    %dot_general3A_31 = arith.constant dense<0.000000e+00> : vector<2560x128xf32>
    %dot_general3A_32 = tpu.matmul %max3A_27, %get3A_30, %dot_general3A_31 {dimension_numbers = #tpu.dot_dimension_numbers<[1], [0], [0], [1], [0, 0, 1, 1], [], []>, transpose_lhs_hint = false} : vector<2560x128xf32>, vector<128x128xf32>, vector<2560x128xf32> -> vector<2560x128xf32>
    %get3A_33 = arith.constant 0 : index
    %get3A_34 = arith.constant 0 : index
    %get3A_35 = vector.load %arg9[%get3A_33, %get3A_34] : memref<1x128xf32, #tpu.memory_space<vmem>>, vector<1x128xf32>
    %add3A_36 = vector.broadcast %get3A_35 : vector<1x128xf32> to vector<2560x128xf32>
    %add3A_37 = arith.addf %dot_general3A_32, %add3A_36 : vector<2560x128xf32>
    %swap3A = arith.constant 0 : index
    %swap3A_38 = arith.constant 0 : index
    %swap3A_39 = vector.load %arg10[%swap3A, %swap3A_38] : memref<2560x128xf32, #tpu.memory_space<vmem>>, vector<2560x128xf32>
    tpu.vector_store %arg10[%swap3A, %swap3A_38], %add3A_37 {strides = array<i32>} : memref<2560x128xf32, #tpu.memory_space<vmem>>, vector<2560x128xf32>,
    %eq3A = arith.constant 0 : i32
    %eq3A_40 = arith.cmpi eq, %arg0, %eq3A : i32
    %convert_element_type3A = arith.extui %eq3A_40 : i1 to i32
    %cond3A = arith.constant 0 : i32
    %cond3A_41 = arith.cmpi ne, %convert_element_type3A, %cond3A : i32
    scf.if %cond3A_41 {
      %broadcast_in_dim3A_198 = arith.constant 0.000000e+00 : f32
      %broadcast_in_dim3A_199 = vector.broadcast %broadcast_in_dim3A_198 : f32 to vector<64x128xf32>
      %swap3A_200 = arith.constant 0 : index
      %swap3A_201 = arith.constant 0 : index
      %swap3A_202 = vector.load %arg11[%swap3A_200, %swap3A_201] : memref<64x128xf32, #tpu.memory_space<vmem>>, vector<64x128xf32>
      tpu.vector_store %arg11[%swap3A_200, %swap3A_201], %broadcast_in_dim3A_199 {strides = array<i32>} : memref<64x128xf32, #tpu.memory_space<vmem>>, vector<64x128xf32>,
    } else {
    }
    %get3A_42 = arith.constant 0 : index
    %get3A_43 = arith.constant 0 : index
    %get3A_44 = arith.constant 0 : index
    %get3A_45 = vector.load %arg4[%get3A_42, %get3A_43, %get3A_44] : memref<1x20x128xi32, #tpu.memory_space<vmem>>, vector<1x20x128xi32>
    %get3A_46 = vector.shape_cast %get3A_45 : vector<1x20x128xi32> to vector<20x128xi32>
    %iota3A = tpu.iota {dimensions = array<i32: 0>} : vector<64x128xi32>
    %broadcast_in_dim3A = arith.constant 0.000000e+00 : f32
    %broadcast_in_dim3A_47 = vector.broadcast %broadcast_in_dim3A : f32 to vector<64x128xf32>
    %slice3A = vector.extract_strided_slice %get3A_46 {offsets = [0, 0], sizes = [1, 128], strides = [1, 1]} : vector<20x128xi32> to vector<1x128xi32>
    %broadcast_in_dim3A_48 = vector.shape_cast %slice3A : vector<1x128xi32> to vector<1x128xi32>
    %broadcast_in_dim3A_49 = vector.broadcast %broadcast_in_dim3A_48 : vector<1x128xi32> to vector<64x128xi32>
    %eq3A_50 = arith.cmpi eq, %broadcast_in_dim3A_49, %iota3A : vector<64x128xi32>
    %convert_element_type3A_51 = arith.extui %eq3A_50 : vector<64x128xi1> to vector<64x128xi32>
    %convert_element_type3A_52 = arith.sitofp %convert_element_type3A_51 : vector<64x128xi32> to vector<64x128xf32>
    %add3A_53 = arith.addf %broadcast_in_dim3A_47, %convert_element_type3A_52 : vector<64x128xf32>
    %slice3A_54 = vector.extract_strided_slice %get3A_46 {offsets = [1, 0], sizes = [1, 128], strides = [1, 1]} : vector<20x128xi32> to vector<1x128xi32>
    %broadcast_in_dim3A_55 = vector.shape_cast %slice3A_54 : vector<1x128xi32> to vector<1x128xi32>
    %broadcast_in_dim3A_56 = vector.broadcast %broadcast_in_dim3A_55 : vector<1x128xi32> to vector<64x128xi32>
    %eq3A_57 = arith.cmpi eq, %broadcast_in_dim3A_56, %iota3A : vector<64x128xi32>
    %convert_element_type3A_58 = arith.extui %eq3A_57 : vector<64x128xi1> to vector<64x128xi32>
    %convert_element_type3A_59 = arith.sitofp %convert_element_type3A_58 : vector<64x128xi32> to vector<64x128xf32>
    %add3A_60 = arith.addf %add3A_53, %convert_element_type3A_59 : vector<64x128xf32>
    %slice3A_61 = vector.extract_strided_slice %get3A_46 {offsets = [2, 0], sizes = [1, 128], strides = [1, 1]} : vector<20x128xi32> to vector<1x128xi32>
    %broadcast_in_dim3A_62 = vector.shape_cast %slice3A_61 : vector<1x128xi32> to vector<1x128xi32>
    %broadcast_in_dim3A_63 = vector.broadcast %broadcast_in_dim3A_62 : vector<1x128xi32> to vector<64x128xi32>
    %eq3A_64 = arith.cmpi eq, %broadcast_in_dim3A_63, %iota3A : vector<64x128xi32>
    %convert_element_type3A_65 = arith.extui %eq3A_64 : vector<64x128xi1> to vector<64x128xi32>
    %convert_element_type3A_66 = arith.sitofp %convert_element_type3A_65 : vector<64x128xi32> to vector<64x128xf32>
    %add3A_67 = arith.addf %add3A_60, %convert_element_type3A_66 : vector<64x128xf32>
    %slice3A_68 = vector.extract_strided_slice %get3A_46 {offsets = [3, 0], sizes = [1, 128], strides = [1, 1]} : vector<20x128xi32> to vector<1x128xi32>
    %broadcast_in_dim3A_69 = vector.shape_cast %slice3A_68 : vector<1x128xi32> to vector<1x128xi32>
    %broadcast_in_dim3A_70 = vector.broadcast %broadcast_in_dim3A_69 : vector<1x128xi32> to vector<64x128xi32>
    %eq3A_71 = arith.cmpi eq, %broadcast_in_dim3A_70, %iota3A : vector<64x128xi32>
    %convert_element_type3A_72 = arith.extui %eq3A_71 : vector<64x128xi1> to vector<64x128xi32>
    %convert_element_type3A_73 = arith.sitofp %convert_element_type3A_72 : vector<64x128xi32> to vector<64x128xf32>
    %add3A_74 = arith.addf %add3A_67, %convert_element_type3A_73 : vector<64x128xf32>
    %slice3A_75 = vector.extract_strided_slice %get3A_46 {offsets = [4, 0], sizes = [1, 128], strides = [1, 1]} : vector<20x128xi32> to vector<1x128xi32>
    %broadcast_in_dim3A_76 = vector.shape_cast %slice3A_75 : vector<1x128xi32> to vector<1x128xi32>
    %broadcast_in_dim3A_77 = vector.broadcast %broadcast_in_dim3A_76 : vector<1x128xi32> to vector<64x128xi32>
    %eq3A_78 = arith.cmpi eq, %broadcast_in_dim3A_77, %iota3A : vector<64x128xi32>
    %convert_element_type3A_79 = arith.extui %eq3A_78 : vector<64x128xi1> to vector<64x128xi32>
    %convert_element_type3A_80 = arith.sitofp %convert_element_type3A_79 : vector<64x128xi32> to vector<64x128xf32>
    %add3A_81 = arith.addf %add3A_74, %convert_element_type3A_80 : vector<64x128xf32>
    %slice3A_82 = vector.extract_strided_slice %get3A_46 {offsets = [5, 0], sizes = [1, 128], strides = [1, 1]} : vector<20x128xi32> to vector<1x128xi32>
    %broadcast_in_dim3A_83 = vector.shape_cast %slice3A_82 : vector<1x128xi32> to vector<1x128xi32>
    %broadcast_in_dim3A_84 = vector.broadcast %broadcast_in_dim3A_83 : vector<1x128xi32> to vector<64x128xi32>
    %eq3A_85 = arith.cmpi eq, %broadcast_in_dim3A_84, %iota3A : vector<64x128xi32>
    %convert_element_type3A_86 = arith.extui %eq3A_85 : vector<64x128xi1> to vector<64x128xi32>
    %convert_element_type3A_87 = arith.sitofp %convert_element_type3A_86 : vector<64x128xi32> to vector<64x128xf32>
    %add3A_88 = arith.addf %add3A_81, %convert_element_type3A_87 : vector<64x128xf32>
    %slice3A_89 = vector.extract_strided_slice %get3A_46 {offsets = [6, 0], sizes = [1, 128], strides = [1, 1]} : vector<20x128xi32> to vector<1x128xi32>
    %broadcast_in_dim3A_90 = vector.shape_cast %slice3A_89 : vector<1x128xi32> to vector<1x128xi32>
    %broadcast_in_dim3A_91 = vector.broadcast %broadcast_in_dim3A_90 : vector<1x128xi32> to vector<64x128xi32>
    %eq3A_92 = arith.cmpi eq, %broadcast_in_dim3A_91, %iota3A : vector<64x128xi32>
    %convert_element_type3A_93 = arith.extui %eq3A_92 : vector<64x128xi1> to vector<64x128xi32>
    %convert_element_type3A_94 = arith.sitofp %convert_element_type3A_93 : vector<64x128xi32> to vector<64x128xf32>
    %add3A_95 = arith.addf %add3A_88, %convert_element_type3A_94 : vector<64x128xf32>
    %slice3A_96 = vector.extract_strided_slice %get3A_46 {offsets = [7, 0], sizes = [1, 128], strides = [1, 1]} : vector<20x128xi32> to vector<1x128xi32>
    %broadcast_in_dim3A_97 = vector.shape_cast %slice3A_96 : vector<1x128xi32> to vector<1x128xi32>
    %broadcast_in_dim3A_98 = vector.broadcast %broadcast_in_dim3A_97 : vector<1x128xi32> to vector<64x128xi32>
    %eq3A_99 = arith.cmpi eq, %broadcast_in_dim3A_98, %iota3A : vector<64x128xi32>
    %convert_element_type3A_100 = arith.extui %eq3A_99 : vector<64x128xi1> to vector<64x128xi32>
    %convert_element_type3A_101 = arith.sitofp %convert_element_type3A_100 : vector<64x128xi32> to vector<64x128xf32>
    %add3A_102 = arith.addf %add3A_95, %convert_element_type3A_101 : vector<64x128xf32>
    %slice3A_103 = vector.extract_strided_slice %get3A_46 {offsets = [8, 0], sizes = [1, 128], strides = [1, 1]} : vector<20x128xi32> to vector<1x128xi32>
    %broadcast_in_dim3A_104 = vector.shape_cast %slice3A_103 : vector<1x128xi32> to vector<1x128xi32>
    %broadcast_in_dim3A_105 = vector.broadcast %broadcast_in_dim3A_104 : vector<1x128xi32> to vector<64x128xi32>
    %eq3A_106 = arith.cmpi eq, %broadcast_in_dim3A_105, %iota3A : vector<64x128xi32>
    %convert_element_type3A_107 = arith.extui %eq3A_106 : vector<64x128xi1> to vector<64x128xi32>
    %convert_element_type3A_108 = arith.sitofp %convert_element_type3A_107 : vector<64x128xi32> to vector<64x128xf32>
    %add3A_109 = arith.addf %add3A_102, %convert_element_type3A_108 : vector<64x128xf32>
    %slice3A_110 = vector.extract_strided_slice %get3A_46 {offsets = [9, 0], sizes = [1, 128], strides = [1, 1]} : vector<20x128xi32> to vector<1x128xi32>
    %broadcast_in_dim3A_111 = vector.shape_cast %slice3A_110 : vector<1x128xi32> to vector<1x128xi32>
    %broadcast_in_dim3A_112 = vector.broadcast %broadcast_in_dim3A_111 : vector<1x128xi32> to vector<64x128xi32>
    %eq3A_113 = arith.cmpi eq, %broadcast_in_dim3A_112, %iota3A : vector<64x128xi32>
    %convert_element_type3A_114 = arith.extui %eq3A_113 : vector<64x128xi1> to vector<64x128xi32>
    %convert_element_type3A_115 = arith.sitofp %convert_element_type3A_114 : vector<64x128xi32> to vector<64x128xf32>
    %add3A_116 = arith.addf %add3A_109, %convert_element_type3A_115 : vector<64x128xf32>
    %slice3A_117 = vector.extract_strided_slice %get3A_46 {offsets = [10, 0], sizes = [1, 128], strides = [1, 1]} : vector<20x128xi32> to vector<1x128xi32>
    %broadcast_in_dim3A_118 = vector.shape_cast %slice3A_117 : vector<1x128xi32> to vector<1x128xi32>
    %broadcast_in_dim3A_119 = vector.broadcast %broadcast_in_dim3A_118 : vector<1x128xi32> to vector<64x128xi32>
    %eq3A_120 = arith.cmpi eq, %broadcast_in_dim3A_119, %iota3A : vector<64x128xi32>
    %convert_element_type3A_121 = arith.extui %eq3A_120 : vector<64x128xi1> to vector<64x128xi32>
    %convert_element_type3A_122 = arith.sitofp %convert_element_type3A_121 : vector<64x128xi32> to vector<64x128xf32>
    %add3A_123 = arith.addf %add3A_116, %convert_element_type3A_122 : vector<64x128xf32>
    %slice3A_124 = vector.extract_strided_slice %get3A_46 {offsets = [11, 0], sizes = [1, 128], strides = [1, 1]} : vector<20x128xi32> to vector<1x128xi32>
    %broadcast_in_dim3A_125 = vector.shape_cast %slice3A_124 : vector<1x128xi32> to vector<1x128xi32>
    %broadcast_in_dim3A_126 = vector.broadcast %broadcast_in_dim3A_125 : vector<1x128xi32> to vector<64x128xi32>
    %eq3A_127 = arith.cmpi eq, %broadcast_in_dim3A_126, %iota3A : vector<64x128xi32>
    %convert_element_type3A_128 = arith.extui %eq3A_127 : vector<64x128xi1> to vector<64x128xi32>
    %convert_element_type3A_129 = arith.sitofp %convert_element_type3A_128 : vector<64x128xi32> to vector<64x128xf32>
    %add3A_130 = arith.addf %add3A_123, %convert_element_type3A_129 : vector<64x128xf32>
    %slice3A_131 = vector.extract_strided_slice %get3A_46 {offsets = [12, 0], sizes = [1, 128], strides = [1, 1]} : vector<20x128xi32> to vector<1x128xi32>
    %broadcast_in_dim3A_132 = vector.shape_cast %slice3A_131 : vector<1x128xi32> to vector<1x128xi32>
    %broadcast_in_dim3A_133 = vector.broadcast %broadcast_in_dim3A_132 : vector<1x128xi32> to vector<64x128xi32>
    %eq3A_134 = arith.cmpi eq, %broadcast_in_dim3A_133, %iota3A : vector<64x128xi32>
    %convert_element_type3A_135 = arith.extui %eq3A_134 : vector<64x128xi1> to vector<64x128xi32>
    %convert_element_type3A_136 = arith.sitofp %convert_element_type3A_135 : vector<64x128xi32> to vector<64x128xf32>
    %add3A_137 = arith.addf %add3A_130, %convert_element_type3A_136 : vector<64x128xf32>
    %slice3A_138 = vector.extract_strided_slice %get3A_46 {offsets = [13, 0], sizes = [1, 128], strides = [1, 1]} : vector<20x128xi32> to vector<1x128xi32>
    %broadcast_in_dim3A_139 = vector.shape_cast %slice3A_138 : vector<1x128xi32> to vector<1x128xi32>
    %broadcast_in_dim3A_140 = vector.broadcast %broadcast_in_dim3A_139 : vector<1x128xi32> to vector<64x128xi32>
    %eq3A_141 = arith.cmpi eq, %broadcast_in_dim3A_140, %iota3A : vector<64x128xi32>
    %convert_element_type3A_142 = arith.extui %eq3A_141 : vector<64x128xi1> to vector<64x128xi32>
    %convert_element_type3A_143 = arith.sitofp %convert_element_type3A_142 : vector<64x128xi32> to vector<64x128xf32>
    %add3A_144 = arith.addf %add3A_137, %convert_element_type3A_143 : vector<64x128xf32>
    %slice3A_145 = vector.extract_strided_slice %get3A_46 {offsets = [14, 0], sizes = [1, 128], strides = [1, 1]} : vector<20x128xi32> to vector<1x128xi32>
    %broadcast_in_dim3A_146 = vector.shape_cast %slice3A_145 : vector<1x128xi32> to vector<1x128xi32>
    %broadcast_in_dim3A_147 = vector.broadcast %broadcast_in_dim3A_146 : vector<1x128xi32> to vector<64x128xi32>
    %eq3A_148 = arith.cmpi eq, %broadcast_in_dim3A_147, %iota3A : vector<64x128xi32>
    %convert_element_type3A_149 = arith.extui %eq3A_148 : vector<64x128xi1> to vector<64x128xi32>
    %convert_element_type3A_150 = arith.sitofp %convert_element_type3A_149 : vector<64x128xi32> to vector<64x128xf32>
    %add3A_151 = arith.addf %add3A_144, %convert_element_type3A_150 : vector<64x128xf32>
    %slice3A_152 = vector.extract_strided_slice %get3A_46 {offsets = [15, 0], sizes = [1, 128], strides = [1, 1]} : vector<20x128xi32> to vector<1x128xi32>
    %broadcast_in_dim3A_153 = vector.shape_cast %slice3A_152 : vector<1x128xi32> to vector<1x128xi32>
    %broadcast_in_dim3A_154 = vector.broadcast %broadcast_in_dim3A_153 : vector<1x128xi32> to vector<64x128xi32>
    %eq3A_155 = arith.cmpi eq, %broadcast_in_dim3A_154, %iota3A : vector<64x128xi32>
    %convert_element_type3A_156 = arith.extui %eq3A_155 : vector<64x128xi1> to vector<64x128xi32>
    %convert_element_type3A_157 = arith.sitofp %convert_element_type3A_156 : vector<64x128xi32> to vector<64x128xf32>
    %add3A_158 = arith.addf %add3A_151, %convert_element_type3A_157 : vector<64x128xf32>
    %slice3A_159 = vector.extract_strided_slice %get3A_46 {offsets = [16, 0], sizes = [1, 128], strides = [1, 1]} : vector<20x128xi32> to vector<1x128xi32>
    %broadcast_in_dim3A_160 = vector.shape_cast %slice3A_159 : vector<1x128xi32> to vector<1x128xi32>
    %broadcast_in_dim3A_161 = vector.broadcast %broadcast_in_dim3A_160 : vector<1x128xi32> to vector<64x128xi32>
    %eq3A_162 = arith.cmpi eq, %broadcast_in_dim3A_161, %iota3A : vector<64x128xi32>
    %convert_element_type3A_163 = arith.extui %eq3A_162 : vector<64x128xi1> to vector<64x128xi32>
    %convert_element_type3A_164 = arith.sitofp %convert_element_type3A_163 : vector<64x128xi32> to vector<64x128xf32>
    %add3A_165 = arith.addf %add3A_158, %convert_element_type3A_164 : vector<64x128xf32>
    %slice3A_166 = vector.extract_strided_slice %get3A_46 {offsets = [17, 0], sizes = [1, 128], strides = [1, 1]} : vector<20x128xi32> to vector<1x128xi32>
    %broadcast_in_dim3A_167 = vector.shape_cast %slice3A_166 : vector<1x128xi32> to vector<1x128xi32>
    %broadcast_in_dim3A_168 = vector.broadcast %broadcast_in_dim3A_167 : vector<1x128xi32> to vector<64x128xi32>
    %eq3A_169 = arith.cmpi eq, %broadcast_in_dim3A_168, %iota3A : vector<64x128xi32>
    %convert_element_type3A_170 = arith.extui %eq3A_169 : vector<64x128xi1> to vector<64x128xi32>
    %convert_element_type3A_171 = arith.sitofp %convert_element_type3A_170 : vector<64x128xi32> to vector<64x128xf32>
    %add3A_172 = arith.addf %add3A_165, %convert_element_type3A_171 : vector<64x128xf32>
    %slice3A_173 = vector.extract_strided_slice %get3A_46 {offsets = [18, 0], sizes = [1, 128], strides = [1, 1]} : vector<20x128xi32> to vector<1x128xi32>
    %broadcast_in_dim3A_174 = vector.shape_cast %slice3A_173 : vector<1x128xi32> to vector<1x128xi32>
    %broadcast_in_dim3A_175 = vector.broadcast %broadcast_in_dim3A_174 : vector<1x128xi32> to vector<64x128xi32>
    %eq3A_176 = arith.cmpi eq, %broadcast_in_dim3A_175, %iota3A : vector<64x128xi32>
    %convert_element_type3A_177 = arith.extui %eq3A_176 : vector<64x128xi1> to vector<64x128xi32>
    %convert_element_type3A_178 = arith.sitofp %convert_element_type3A_177 : vector<64x128xi32> to vector<64x128xf32>
    %add3A_179 = arith.addf %add3A_172, %convert_element_type3A_178 : vector<64x128xf32>
    %slice3A_180 = vector.extract_strided_slice %get3A_46 {offsets = [19, 0], sizes = [1, 128], strides = [1, 1]} : vector<20x128xi32> to vector<1x128xi32>
    %broadcast_in_dim3A_181 = vector.shape_cast %slice3A_180 : vector<1x128xi32> to vector<1x128xi32>
    %broadcast_in_dim3A_182 = vector.broadcast %broadcast_in_dim3A_181 : vector<1x128xi32> to vector<64x128xi32>
    %eq3A_183 = arith.cmpi eq, %broadcast_in_dim3A_182, %iota3A : vector<64x128xi32>
    %convert_element_type3A_184 = arith.extui %eq3A_183 : vector<64x128xi1> to vector<64x128xi32>
    %convert_element_type3A_185 = arith.sitofp %convert_element_type3A_184 : vector<64x128xi32> to vector<64x128xf32>
    %add3A_186 = arith.addf %add3A_179, %convert_element_type3A_185 : vector<64x128xf32>
    %get3A_187 = arith.constant 0 : index
    %get3A_188 = arith.constant 0 : index
    %get3A_189 = vector.load %arg11[%get3A_187, %get3A_188] : memref<64x128xf32, #tpu.memory_space<vmem>>, vector<64x128xf32>
    %reduce_sum3A = arith.constant dense<0.000000e+00> : vector<64xf32>
    %reduce_sum3A_190 = vector.multi_reduction <add>, %add3A_186, %reduce_sum3A [1] : vector<64x128xf32> to vector<64xf32>
    %broadcast_in_dim3A_191 = vector.shape_cast %reduce_sum3A_190 : vector<64xf32> to vector<64x1xf32>
    %broadcast_in_dim3A_192 = vector.shape_cast %broadcast_in_dim3A_191 : vector<64x1xf32> to vector<64x1xf32>
    %broadcast_in_dim3A_193 = vector.broadcast %broadcast_in_dim3A_192 : vector<64x1xf32> to vector<64x128xf32>
    %add3A_194 = arith.addf %get3A_189, %broadcast_in_dim3A_193 : vector<64x128xf32>
    %swap3A_195 = arith.constant 0 : index
    %swap3A_196 = arith.constant 0 : index
    %swap3A_197 = vector.load %arg11[%swap3A_195, %swap3A_196] : memref<64x128xf32, #tpu.memory_space<vmem>>, vector<64x128xf32>
    tpu.vector_store %arg11[%swap3A_195, %swap3A_196], %add3A_194 {strides = array<i32>} : memref<64x128xf32, #tpu.memory_space<vmem>>, vector<64x128xf32>,
    return
  }
  func.func @transform_0(%arg0: i32) -> (i32, i32) {
    %c0_i32 = arith.constant 0 : i32
    %c0_i32_0 = arith.constant 0 : i32
    return %arg0, %c0_i32 : i32, i32
  }
  func.func @transform_1(%arg0: i32) -> (i32, i32) {
    %c0_i32 = arith.constant 0 : i32
    %c0_i32_0 = arith.constant 0 : i32
    return %arg0, %c0_i32 : i32, i32
  }
  func.func @transform_2(%arg0: i32) -> (i32, i32) {
    %c0_i32 = arith.constant 0 : i32
    %c0_i32_0 = arith.constant 0 : i32
    return %arg0, %c0_i32 : i32, i32
  }
  func.func @transform_3(%arg0: i32) -> (i32, i32, i32) {
    %c0_i32 = arith.constant 0 : i32
    %c0_i32_0 = arith.constant 0 : i32
    %c0_i32_1 = arith.constant 0 : i32
    return %arg0, %c0_i32, %c0_i32_0 : i32, i32, i32
  }
  func.func @transform_4(%arg0: i32) -> (i32, i32) {
    %c0_i32 = arith.constant 0 : i32
    %c0_i32_0 = arith.constant 0 : i32
    %c0_i32_1 = arith.constant 0 : i32
    return %c0_i32, %c0_i32_0 : i32, i32
  }
  func.func @transform_5(%arg0: i32) -> (i32, i32) {
    %c0_i32 = arith.constant 0 : i32
    %c0_i32_0 = arith.constant 0 : i32
    %c0_i32_1 = arith.constant 0 : i32
    return %c0_i32, %c0_i32_0 : i32, i32
  }
  func.func @transform_6(%arg0: i32) -> (i32, i32) {
    %c0_i32 = arith.constant 0 : i32
    %c0_i32_0 = arith.constant 0 : i32
    %c0_i32_1 = arith.constant 0 : i32
    return %c0_i32, %c0_i32_0 : i32, i32
  }
  func.func @transform_7(%arg0: i32) -> (i32, i32) {
    %c0_i32 = arith.constant 0 : i32
    %c0_i32_0 = arith.constant 0 : i32
    %c0_i32_1 = arith.constant 0 : i32
    return %c0_i32, %c0_i32_0 : i32, i32
  }
  func.func @transform_8(%arg0: i32) -> (i32, i32) {
    %c0_i32 = arith.constant 0 : i32
    %c0_i32_0 = arith.constant 0 : i32
    %c0_i32_1 = arith.constant 0 : i32
    return %c0_i32, %c0_i32_0 : i32, i32
  }
  func.func @transform_9(%arg0: i32) -> (i32, i32) {
    %c0_i32 = arith.constant 0 : i32
    %c0_i32_0 = arith.constant 0 : i32
    return %arg0, %c0_i32 : i32, i32
  }
  func.func @transform_10(%arg0: i32) -> (i32, i32) {
    %c0_i32 = arith.constant 0 : i32
    %c0_i32_0 = arith.constant 0 : i32
    %c0_i32_1 = arith.constant 0 : i32
    return %c0_i32, %c0_i32_0 : i32, i32
  }
}

module attributes {stable_mosaic.version = 14 : i64} {
  func.func @_node_body(%arg0: i32, %arg1: memref<1000x128xf32, #tpu.memory_space<vmem>>, %arg2: memref<1000x128xf32, #tpu.memory_space<vmem>>, %arg3: memref<1000x128xf32, #tpu.memory_space<vmem>>, %arg4: memref<1x1x1000xi32, #tpu.memory_space<vmem>>, %arg5: memref<128x128xf32, #tpu.memory_space<vmem>>, %arg6: memref<128x128xf32, #tpu.memory_space<vmem>>, %arg7: memref<1x128xf32, #tpu.memory_space<vmem>>, %arg8: memref<128x128xf32, #tpu.memory_space<vmem>>, %arg9: memref<1x128xf32, #tpu.memory_space<vmem>>, %arg10: memref<64x128xf32, #tpu.memory_space<vmem>>, %arg11: memref<64x128xf32, #tpu.memory_space<vmem>>, %arg12: memref<64x128xf32, #tpu.memory_space<vmem>>, %arg13: memref<64x128xf32, #tpu.memory_space<vmem>>, %arg14: memref<128x128xf32, #tpu.memory_space<vmem>>, %arg15: memref<128x128xf32, #tpu.memory_space<vmem>>, %arg16: memref<128x128xf32, #tpu.memory_space<vmem>>, %arg17: memref<1x128xf32, #tpu.memory_space<vmem>>, %arg18: memref<128x128xf32, #tpu.memory_space<vmem>>, %arg19: memref<1x128xf32, #tpu.memory_space<vmem>>, %arg20: memref<128x128xf32, #tpu.memory_space<vmem>>, %arg21: memref<1x128xf32, #tpu.memory_space<vmem>>, %arg22: memref<1000x128xf32, #tpu.memory_space<vmem>>, %arg23: memref<64x128xf32, #tpu.memory_space<vmem>>, %arg24: memref<64x128xf32, #tpu.memory_space<vmem>>, %arg25: memref<64x128xf32, #tpu.memory_space<vmem>>) attributes {dimension_semantics = [#tpu.dimension_semantics<arbitrary>], iteration_bounds = array<i64: 10>, scalar_prefetch = 0 : i64, scratch_operands = 2 : i64, tpu.core_type = #tpu.core_type<tc>, window_params = [{transform_indices = @transform_0, window_bounds = array<i64: 1000, 128>}, {transform_indices = @transform_1, window_bounds = array<i64: 1000, 128>}, {transform_indices = @transform_2, window_bounds = array<i64: 1000, 128>}, {transform_indices = @transform_3, window_bounds = array<i64: 1, 1, 1000>}, {pipeline_mode = #tpu.pipeline_mode<synchronous>, transform_indices = @transform_4, window_bounds = array<i64: 128, 128>}, {pipeline_mode = #tpu.pipeline_mode<synchronous>, transform_indices = @transform_5, window_bounds = array<i64: 128, 128>}, {pipeline_mode = #tpu.pipeline_mode<synchronous>, transform_indices = @transform_6, window_bounds = array<i64: 1, 128>}, {pipeline_mode = #tpu.pipeline_mode<synchronous>, transform_indices = @transform_7, window_bounds = array<i64: 128, 128>}, {pipeline_mode = #tpu.pipeline_mode<synchronous>, transform_indices = @transform_8, window_bounds = array<i64: 1, 128>}, {pipeline_mode = #tpu.pipeline_mode<synchronous>, transform_indices = @transform_9, window_bounds = array<i64: 64, 128>}, {pipeline_mode = #tpu.pipeline_mode<synchronous>, transform_indices = @transform_10, window_bounds = array<i64: 64, 128>}, {pipeline_mode = #tpu.pipeline_mode<synchronous>, transform_indices = @transform_11, window_bounds = array<i64: 64, 128>}, {pipeline_mode = #tpu.pipeline_mode<synchronous>, transform_indices = @transform_12, window_bounds = array<i64: 64, 128>}, {pipeline_mode = #tpu.pipeline_mode<synchronous>, transform_indices = @transform_13, window_bounds = array<i64: 128, 128>}, {pipeline_mode = #tpu.pipeline_mode<synchronous>, transform_indices = @transform_14, window_bounds = array<i64: 128, 128>}, {pipeline_mode = #tpu.pipeline_mode<synchronous>, transform_indices = @transform_15, window_bounds = array<i64: 128, 128>}, {pipeline_mode = #tpu.pipeline_mode<synchronous>, transform_indices = @transform_16, window_bounds = array<i64: 1, 128>}, {pipeline_mode = #tpu.pipeline_mode<synchronous>, transform_indices = @transform_17, window_bounds = array<i64: 128, 128>}, {pipeline_mode = #tpu.pipeline_mode<synchronous>, transform_indices = @transform_18, window_bounds = array<i64: 1, 128>}, {pipeline_mode = #tpu.pipeline_mode<synchronous>, transform_indices = @transform_19, window_bounds = array<i64: 128, 128>}, {pipeline_mode = #tpu.pipeline_mode<synchronous>, transform_indices = @transform_20, window_bounds = array<i64: 1, 128>}, {transform_indices = @transform_21, window_bounds = array<i64: 1000, 128>}, {pipeline_mode = #tpu.pipeline_mode<synchronous>, transform_indices = @transform_22, window_bounds = array<i64: 64, 128>}]} {
    %get3A = arith.constant 0 : index
    %get3A_0 = arith.constant 0 : index
    %get3A_1 = vector.load %arg2[%get3A, %get3A_0] : memref<1000x128xf32, #tpu.memory_space<vmem>>, vector<1000x128xf32>
    %get3A_2 = arith.constant 0 : index
    %get3A_3 = arith.constant 0 : index
    %get3A_4 = vector.load %arg3[%get3A_2, %get3A_3] : memref<1000x128xf32, #tpu.memory_space<vmem>>, vector<1000x128xf32>
    %add3A = arith.addf %get3A_1, %get3A_4 : vector<1000x128xf32>
    %get3A_5 = arith.constant 0 : index
    %get3A_6 = arith.constant 0 : index
    %get3A_7 = vector.load %arg1[%get3A_5, %get3A_6] : memref<1000x128xf32, #tpu.memory_space<vmem>>, vector<1000x128xf32>
    %get3A_8 = arith.constant 0 : index
    %get3A_9 = arith.constant 0 : index
    %get3A_10 = vector.load %arg5[%get3A_8, %get3A_9] : memref<128x128xf32, #tpu.memory_space<vmem>>, vector<128x128xf32>
    %dot_general3A = arith.constant dense<0.000000e+00> : vector<1000x128xf32>
    %dot_general3A_11 = tpu.matmul %add3A, %get3A_10, %dot_general3A {dimension_numbers = #tpu.dot_dimension_numbers<[1], [0], [0], [1], [0, 0, 1, 1], [], []>, transpose_lhs_hint = false} : vector<1000x128xf32>, vector<128x128xf32>, vector<1000x128xf32> -> vector<1000x128xf32>
    %add3A_12 = arith.addf %get3A_7, %dot_general3A_11 : vector<1000x128xf32>
    %max3A = arith.constant 0.000000e+00 : f32
    %max3A_13 = vector.broadcast %max3A : f32 to vector<1000x128xf32>
    %max3A_14 = arith.maximumf %add3A_12, %max3A_13 : vector<1000x128xf32>
    %get3A_15 = arith.constant 0 : index
    %get3A_16 = arith.constant 0 : index
    %get3A_17 = vector.load %arg6[%get3A_15, %get3A_16] : memref<128x128xf32, #tpu.memory_space<vmem>>, vector<128x128xf32>
    %dot_general3A_18 = arith.constant dense<0.000000e+00> : vector<1000x128xf32>
    %dot_general3A_19 = tpu.matmul %max3A_14, %get3A_17, %dot_general3A_18 {dimension_numbers = #tpu.dot_dimension_numbers<[1], [0], [0], [1], [0, 0, 1, 1], [], []>, transpose_lhs_hint = false} : vector<1000x128xf32>, vector<128x128xf32>, vector<1000x128xf32> -> vector<1000x128xf32>
    %get3A_20 = arith.constant 0 : index
    %get3A_21 = arith.constant 0 : index
    %get3A_22 = vector.load %arg7[%get3A_20, %get3A_21] : memref<1x128xf32, #tpu.memory_space<vmem>>, vector<1x128xf32>
    %add3A_23 = vector.broadcast %get3A_22 : vector<1x128xf32> to vector<1000x128xf32>
    %add3A_24 = arith.addf %dot_general3A_19, %add3A_23 : vector<1000x128xf32>
    %max3A_25 = arith.constant 0.000000e+00 : f32
    %max3A_26 = vector.broadcast %max3A_25 : f32 to vector<1000x128xf32>
    %max3A_27 = arith.maximumf %add3A_24, %max3A_26 : vector<1000x128xf32>
    %get3A_28 = arith.constant 0 : index
    %get3A_29 = arith.constant 0 : index
    %get3A_30 = vector.load %arg8[%get3A_28, %get3A_29] : memref<128x128xf32, #tpu.memory_space<vmem>>, vector<128x128xf32>
    %dot_general3A_31 = arith.constant dense<0.000000e+00> : vector<1000x128xf32>
    %dot_general3A_32 = tpu.matmul %max3A_27, %get3A_30, %dot_general3A_31 {dimension_numbers = #tpu.dot_dimension_numbers<[1], [0], [0], [1], [0, 0, 1, 1], [], []>, transpose_lhs_hint = false} : vector<1000x128xf32>, vector<128x128xf32>, vector<1000x128xf32> -> vector<1000x128xf32>
    %get3A_33 = arith.constant 0 : index
    %get3A_34 = arith.constant 0 : index
    %get3A_35 = vector.load %arg9[%get3A_33, %get3A_34] : memref<1x128xf32, #tpu.memory_space<vmem>>, vector<1x128xf32>
    %add3A_36 = vector.broadcast %get3A_35 : vector<1x128xf32> to vector<1000x128xf32>
    %add3A_37 = arith.addf %dot_general3A_32, %add3A_36 : vector<1000x128xf32>
    %swap3A = arith.constant 0 : index
    %swap3A_38 = arith.constant 0 : index
    %swap3A_39 = vector.load %arg22[%swap3A, %swap3A_38] : memref<1000x128xf32, #tpu.memory_space<vmem>>, vector<1000x128xf32>
    tpu.vector_store %arg22[%swap3A, %swap3A_38], %add3A_37 {strides = array<i32>} : memref<1000x128xf32, #tpu.memory_space<vmem>>, vector<1000x128xf32>,
    %get3A_40 = arith.constant 0 : index
    %get3A_41 = arith.constant 0 : index
    %get3A_42 = arith.constant 0 : index
    %get3A_43 = vector.load %arg4[%get3A_40, %get3A_41, %get3A_42] : memref<1x1x1000xi32, #tpu.memory_space<vmem>>, vector<1x1x1000xi32>
    %get3A_44 = vector.shape_cast %get3A_43 : vector<1x1x1000xi32> to vector<1x1000xi32>
    %broadcast_in_dim3A = vector.shape_cast %get3A_44 : vector<1x1000xi32> to vector<1x1000xi32>
    %broadcast_in_dim3A_45 = vector.broadcast %broadcast_in_dim3A : vector<1x1000xi32> to vector<64x1000xi32>
    %iota3A = tpu.iota {dimensions = array<i32: 0>} : vector<64x1000xi32>
    %eq3A = arith.cmpi eq, %broadcast_in_dim3A_45, %iota3A : vector<64x1000xi32>
    %convert_element_type3A = arith.extui %eq3A : vector<64x1000xi1> to vector<64x1000xi32>
    %convert_element_type3A_46 = arith.sitofp %convert_element_type3A : vector<64x1000xi32> to vector<64x1000xf32>
    %eq3A_47 = arith.constant 0 : i32
    %eq3A_48 = arith.cmpi eq, %arg0, %eq3A_47 : i32
    %convert_element_type3A_49 = arith.extui %eq3A_48 : i1 to i32
    %cond3A = arith.constant 0 : i32
    %cond3A_50 = arith.cmpi ne, %convert_element_type3A_49, %cond3A : i32
    scf.if %cond3A_50 {
      %broadcast_in_dim3A_76 = arith.constant 0.000000e+00 : f32
      %broadcast_in_dim3A_77 = vector.broadcast %broadcast_in_dim3A_76 : f32 to vector<64x128xf32>
      %swap3A_78 = arith.constant 0 : index
      %swap3A_79 = arith.constant 0 : index
      %swap3A_80 = vector.load %arg24[%swap3A_78, %swap3A_79] : memref<64x128xf32, #tpu.memory_space<vmem>>, vector<64x128xf32>
      tpu.vector_store %arg24[%swap3A_78, %swap3A_79], %broadcast_in_dim3A_77 {strides = array<i32>} : memref<64x128xf32, #tpu.memory_space<vmem>>, vector<64x128xf32>,
      %broadcast_in_dim3A_81 = arith.constant 0.000000e+00 : f32
      %broadcast_in_dim3A_82 = vector.broadcast %broadcast_in_dim3A_81 : f32 to vector<64x128xf32>
      %swap3A_83 = arith.constant 0 : index
      %swap3A_84 = arith.constant 0 : index
      %swap3A_85 = vector.load %arg25[%swap3A_83, %swap3A_84] : memref<64x128xf32, #tpu.memory_space<vmem>>, vector<64x128xf32>
      tpu.vector_store %arg25[%swap3A_83, %swap3A_84], %broadcast_in_dim3A_82 {strides = array<i32>} : memref<64x128xf32, #tpu.memory_space<vmem>>, vector<64x128xf32>,
    } else {
    }
    %get3A_51 = arith.constant 0 : index
    %get3A_52 = arith.constant 0 : index
    %get3A_53 = vector.load %arg24[%get3A_51, %get3A_52] : memref<64x128xf32, #tpu.memory_space<vmem>>, vector<64x128xf32>
    %dot_general3A_54 = arith.constant dense<0.000000e+00> : vector<64x128xf32>
    %dot_general3A_55 = tpu.matmul %convert_element_type3A_46, %add3A_37, %dot_general3A_54 {dimension_numbers = #tpu.dot_dimension_numbers<[1], [0], [0], [1], [0, 0, 1, 1], [], []>, transpose_lhs_hint = false} : vector<64x1000xf32>, vector<1000x128xf32>, vector<64x128xf32> -> vector<64x128xf32>
    %add3A_56 = arith.addf %get3A_53, %dot_general3A_55 : vector<64x128xf32>
    %swap3A_57 = arith.constant 0 : index
    %swap3A_58 = arith.constant 0 : index
    %swap3A_59 = vector.load %arg24[%swap3A_57, %swap3A_58] : memref<64x128xf32, #tpu.memory_space<vmem>>, vector<64x128xf32>
    tpu.vector_store %arg24[%swap3A_57, %swap3A_58], %add3A_56 {strides = array<i32>} : memref<64x128xf32, #tpu.memory_space<vmem>>, vector<64x128xf32>,
    %get3A_60 = arith.constant 0 : index
    %get3A_61 = arith.constant 0 : index
    %get3A_62 = vector.load %arg25[%get3A_60, %get3A_61] : memref<64x128xf32, #tpu.memory_space<vmem>>, vector<64x128xf32>
    %reduce_sum3A = arith.constant dense<0.000000e+00> : vector<64xf32>
    %reduce_sum3A_63 = vector.multi_reduction <add>, %convert_element_type3A_46, %reduce_sum3A [1] : vector<64x1000xf32> to vector<64xf32>
    %broadcast_in_dim3A_64 = vector.shape_cast %reduce_sum3A_63 : vector<64xf32> to vector<64x1xf32>
    %broadcast_in_dim3A_65 = vector.shape_cast %broadcast_in_dim3A_64 : vector<64x1xf32> to vector<64x1xf32>
    %broadcast_in_dim3A_66 = vector.broadcast %broadcast_in_dim3A_65 : vector<64x1xf32> to vector<64x128xf32>
    %add3A_67 = arith.addf %get3A_62, %broadcast_in_dim3A_66 : vector<64x128xf32>
    %swap3A_68 = arith.constant 0 : index
    %swap3A_69 = arith.constant 0 : index
    %swap3A_70 = vector.load %arg25[%swap3A_68, %swap3A_69] : memref<64x128xf32, #tpu.memory_space<vmem>>, vector<64x128xf32>
    tpu.vector_store %arg25[%swap3A_68, %swap3A_69], %add3A_67 {strides = array<i32>} : memref<64x128xf32, #tpu.memory_space<vmem>>, vector<64x128xf32>,
    %eq3A_71 = arith.constant 9 : i32
    %eq3A_72 = arith.cmpi eq, %arg0, %eq3A_71 : i32
    %convert_element_type3A_73 = arith.extui %eq3A_72 : i1 to i32
    %cond3A_74 = arith.constant 0 : i32
    %cond3A_75 = arith.cmpi ne, %convert_element_type3A_73, %cond3A_74 : i32
    scf.if %cond3A_75 {
      %get3A_76 = arith.constant 0 : index
      %get3A_77 = arith.constant 0 : index
      %get3A_78 = vector.load %arg24[%get3A_76, %get3A_77] : memref<64x128xf32, #tpu.memory_space<vmem>>, vector<64x128xf32>
      %get3A_79 = arith.constant 0 : index
      %get3A_80 = arith.constant 0 : index
      %get3A_81 = vector.load %arg25[%get3A_79, %get3A_80] : memref<64x128xf32, #tpu.memory_space<vmem>>, vector<64x128xf32>
      %max3A_82 = arith.constant 1.000000e+00 : f32
      %max3A_83 = vector.broadcast %max3A_82 : f32 to vector<64x128xf32>
      %max3A_84 = arith.maximumf %get3A_81, %max3A_83 : vector<64x128xf32>
      %div3A = arith.divf %get3A_78, %max3A_84 : vector<64x128xf32>
      %get3A_85 = arith.constant 0 : index
      %get3A_86 = arith.constant 0 : index
      %get3A_87 = vector.load %arg11[%get3A_85, %get3A_86] : memref<64x128xf32, #tpu.memory_space<vmem>>, vector<64x128xf32>
      %get3A_88 = arith.constant 0 : index
      %get3A_89 = arith.constant 0 : index
      %get3A_90 = vector.load %arg12[%get3A_88, %get3A_89] : memref<64x128xf32, #tpu.memory_space<vmem>>, vector<64x128xf32>
      %add3A_91 = arith.addf %get3A_87, %get3A_90 : vector<64x128xf32>
      %get3A_92 = arith.constant 0 : index
      %get3A_93 = arith.constant 0 : index
      %get3A_94 = vector.load %arg13[%get3A_92, %get3A_93] : memref<64x128xf32, #tpu.memory_space<vmem>>, vector<64x128xf32>
      %max3A_95 = arith.constant 1.000000e+00 : f32
      %max3A_96 = vector.broadcast %max3A_95 : f32 to vector<64x128xf32>
      %max3A_97 = arith.maximumf %get3A_94, %max3A_96 : vector<64x128xf32>
      %div3A_98 = arith.divf %add3A_91, %max3A_97 : vector<64x128xf32>
      %get3A_99 = arith.constant 0 : index
      %get3A_100 = arith.constant 0 : index
      %get3A_101 = vector.load %arg10[%get3A_99, %get3A_100] : memref<64x128xf32, #tpu.memory_space<vmem>>, vector<64x128xf32>
      %get3A_102 = arith.constant 0 : index
      %get3A_103 = arith.constant 0 : index
      %get3A_104 = vector.load %arg14[%get3A_102, %get3A_103] : memref<128x128xf32, #tpu.memory_space<vmem>>, vector<128x128xf32>
      %dot_general3A_105 = arith.constant dense<0.000000e+00> : vector<64x128xf32>
      %dot_general3A_106 = tpu.matmul %get3A_101, %get3A_104, %dot_general3A_105 {dimension_numbers = #tpu.dot_dimension_numbers<[1], [0], [0], [1], [0, 0, 1, 1], [], []>, transpose_lhs_hint = false} : vector<64x128xf32>, vector<128x128xf32>, vector<64x128xf32> -> vector<64x128xf32>
      %get3A_107 = arith.constant 0 : index
      %get3A_108 = arith.constant 0 : index
      %get3A_109 = vector.load %arg15[%get3A_107, %get3A_108] : memref<128x128xf32, #tpu.memory_space<vmem>>, vector<128x128xf32>
      %dot_general3A_110 = arith.constant dense<0.000000e+00> : vector<64x128xf32>
      %dot_general3A_111 = tpu.matmul %div3A, %get3A_109, %dot_general3A_110 {dimension_numbers = #tpu.dot_dimension_numbers<[1], [0], [0], [1], [0, 0, 1, 1], [], []>, transpose_lhs_hint = false} : vector<64x128xf32>, vector<128x128xf32>, vector<64x128xf32> -> vector<64x128xf32>
      %add3A_112 = arith.addf %dot_general3A_106, %dot_general3A_111 : vector<64x128xf32>
      %get3A_113 = arith.constant 0 : index
      %get3A_114 = arith.constant 0 : index
      %get3A_115 = vector.load %arg16[%get3A_113, %get3A_114] : memref<128x128xf32, #tpu.memory_space<vmem>>, vector<128x128xf32>
      %dot_general3A_116 = arith.constant dense<0.000000e+00> : vector<64x128xf32>
      %dot_general3A_117 = tpu.matmul %div3A_98, %get3A_115, %dot_general3A_116 {dimension_numbers = #tpu.dot_dimension_numbers<[1], [0], [0], [1], [0, 0, 1, 1], [], []>, transpose_lhs_hint = false} : vector<64x128xf32>, vector<128x128xf32>, vector<64x128xf32> -> vector<64x128xf32>
      %add3A_118 = arith.addf %add3A_112, %dot_general3A_117 : vector<64x128xf32>
      %get3A_119 = arith.constant 0 : index
      %get3A_120 = arith.constant 0 : index
      %get3A_121 = vector.load %arg17[%get3A_119, %get3A_120] : memref<1x128xf32, #tpu.memory_space<vmem>>, vector<1x128xf32>
      %add3A_122 = vector.broadcast %get3A_121 : vector<1x128xf32> to vector<64x128xf32>
      %add3A_123 = arith.addf %add3A_118, %add3A_122 : vector<64x128xf32>
      %max3A_124 = arith.constant 0.000000e+00 : f32
      %max3A_125 = vector.broadcast %max3A_124 : f32 to vector<64x128xf32>
      %max3A_126 = arith.maximumf %add3A_123, %max3A_125 : vector<64x128xf32>
      %get3A_127 = arith.constant 0 : index
      %get3A_128 = arith.constant 0 : index
      %get3A_129 = vector.load %arg18[%get3A_127, %get3A_128] : memref<128x128xf32, #tpu.memory_space<vmem>>, vector<128x128xf32>
      %dot_general3A_130 = arith.constant dense<0.000000e+00> : vector<64x128xf32>
      %dot_general3A_131 = tpu.matmul %max3A_126, %get3A_129, %dot_general3A_130 {dimension_numbers = #tpu.dot_dimension_numbers<[1], [0], [0], [1], [0, 0, 1, 1], [], []>, transpose_lhs_hint = false} : vector<64x128xf32>, vector<128x128xf32>, vector<64x128xf32> -> vector<64x128xf32>
      %get3A_132 = arith.constant 0 : index
      %get3A_133 = arith.constant 0 : index
      %get3A_134 = vector.load %arg19[%get3A_132, %get3A_133] : memref<1x128xf32, #tpu.memory_space<vmem>>, vector<1x128xf32>
      %add3A_135 = vector.broadcast %get3A_134 : vector<1x128xf32> to vector<64x128xf32>
      %add3A_136 = arith.addf %dot_general3A_131, %add3A_135 : vector<64x128xf32>
      %max3A_137 = arith.constant 0.000000e+00 : f32
      %max3A_138 = vector.broadcast %max3A_137 : f32 to vector<64x128xf32>
      %max3A_139 = arith.maximumf %add3A_136, %max3A_138 : vector<64x128xf32>
      %get3A_140 = arith.constant 0 : index
      %get3A_141 = arith.constant 0 : index
      %get3A_142 = vector.load %arg20[%get3A_140, %get3A_141] : memref<128x128xf32, #tpu.memory_space<vmem>>, vector<128x128xf32>
      %dot_general3A_143 = arith.constant dense<0.000000e+00> : vector<64x128xf32>
      %dot_general3A_144 = tpu.matmul %max3A_139, %get3A_142, %dot_general3A_143 {dimension_numbers = #tpu.dot_dimension_numbers<[1], [0], [0], [1], [0, 0, 1, 1], [], []>, transpose_lhs_hint = false} : vector<64x128xf32>, vector<128x128xf32>, vector<64x128xf32> -> vector<64x128xf32>
      %get3A_145 = arith.constant 0 : index
      %get3A_146 = arith.constant 0 : index
      %get3A_147 = vector.load %arg21[%get3A_145, %get3A_146] : memref<1x128xf32, #tpu.memory_space<vmem>>, vector<1x128xf32>
      %add3A_148 = vector.broadcast %get3A_147 : vector<1x128xf32> to vector<64x128xf32>
      %add3A_149 = arith.addf %dot_general3A_144, %add3A_148 : vector<64x128xf32>
      %swap3A_150 = arith.constant 0 : index
      %swap3A_151 = arith.constant 0 : index
      %swap3A_152 = vector.load %arg23[%swap3A_150, %swap3A_151] : memref<64x128xf32, #tpu.memory_space<vmem>>, vector<64x128xf32>
      tpu.vector_store %arg23[%swap3A_150, %swap3A_151], %add3A_149 {strides = array<i32>} : memref<64x128xf32, #tpu.memory_space<vmem>>, vector<64x128xf32>,
    } else {
    }
    return
  }
  func.func @transform_0(%arg0: i32) -> (i32, i32) {
    %c0_i32 = arith.constant 0 : i32
    %c0_i32_0 = arith.constant 0 : i32
    return %arg0, %c0_i32 : i32, i32
  }
  func.func @transform_1(%arg0: i32) -> (i32, i32) {
    %c0_i32 = arith.constant 0 : i32
    %c0_i32_0 = arith.constant 0 : i32
    return %arg0, %c0_i32 : i32, i32
  }
  func.func @transform_2(%arg0: i32) -> (i32, i32) {
    %c0_i32 = arith.constant 0 : i32
    %c0_i32_0 = arith.constant 0 : i32
    return %arg0, %c0_i32 : i32, i32
  }
  func.func @transform_3(%arg0: i32) -> (i32, i32, i32) {
    %c0_i32 = arith.constant 0 : i32
    %c0_i32_0 = arith.constant 0 : i32
    %c0_i32_1 = arith.constant 0 : i32
    return %arg0, %c0_i32, %c0_i32_0 : i32, i32, i32
  }
  func.func @transform_4(%arg0: i32) -> (i32, i32) {
    %c0_i32 = arith.constant 0 : i32
    %c0_i32_0 = arith.constant 0 : i32
    %c0_i32_1 = arith.constant 0 : i32
    return %c0_i32, %c0_i32_0 : i32, i32
  }
  func.func @transform_5(%arg0: i32) -> (i32, i32) {
    %c0_i32 = arith.constant 0 : i32
    %c0_i32_0 = arith.constant 0 : i32
    %c0_i32_1 = arith.constant 0 : i32
    return %c0_i32, %c0_i32_0 : i32, i32
  }
  func.func @transform_6(%arg0: i32) -> (i32, i32) {
    %c0_i32 = arith.constant 0 : i32
    %c0_i32_0 = arith.constant 0 : i32
    %c0_i32_1 = arith.constant 0 : i32
    return %c0_i32, %c0_i32_0 : i32, i32
  }
  func.func @transform_7(%arg0: i32) -> (i32, i32) {
    %c0_i32 = arith.constant 0 : i32
    %c0_i32_0 = arith.constant 0 : i32
    %c0_i32_1 = arith.constant 0 : i32
    return %c0_i32, %c0_i32_0 : i32, i32
  }
  func.func @transform_8(%arg0: i32) -> (i32, i32) {
    %c0_i32 = arith.constant 0 : i32
    %c0_i32_0 = arith.constant 0 : i32
    %c0_i32_1 = arith.constant 0 : i32
    return %c0_i32, %c0_i32_0 : i32, i32
  }
  func.func @transform_9(%arg0: i32) -> (i32, i32) {
    %c0_i32 = arith.constant 0 : i32
    %c0_i32_0 = arith.constant 0 : i32
    %c0_i32_1 = arith.constant 0 : i32
    return %c0_i32, %c0_i32_0 : i32, i32
  }
  func.func @transform_10(%arg0: i32) -> (i32, i32) {
    %c0_i32 = arith.constant 0 : i32
    %c0_i32_0 = arith.constant 0 : i32
    %c0_i32_1 = arith.constant 0 : i32
    return %c0_i32, %c0_i32_0 : i32, i32
  }
  func.func @transform_11(%arg0: i32) -> (i32, i32) {
    %c0_i32 = arith.constant 0 : i32
    %c0_i32_0 = arith.constant 0 : i32
    %c0_i32_1 = arith.constant 0 : i32
    return %c0_i32, %c0_i32_0 : i32, i32
  }
  func.func @transform_12(%arg0: i32) -> (i32, i32) {
    %c0_i32 = arith.constant 0 : i32
    %c0_i32_0 = arith.constant 0 : i32
    %c0_i32_1 = arith.constant 0 : i32
    return %c0_i32, %c0_i32_0 : i32, i32
  }
  func.func @transform_13(%arg0: i32) -> (i32, i32) {
    %c0_i32 = arith.constant 0 : i32
    %c0_i32_0 = arith.constant 0 : i32
    %c0_i32_1 = arith.constant 0 : i32
    return %c0_i32, %c0_i32_0 : i32, i32
  }
  func.func @transform_14(%arg0: i32) -> (i32, i32) {
    %c0_i32 = arith.constant 0 : i32
    %c0_i32_0 = arith.constant 0 : i32
    %c0_i32_1 = arith.constant 0 : i32
    return %c0_i32, %c0_i32_0 : i32, i32
  }
  func.func @transform_15(%arg0: i32) -> (i32, i32) {
    %c0_i32 = arith.constant 0 : i32
    %c0_i32_0 = arith.constant 0 : i32
    %c0_i32_1 = arith.constant 0 : i32
    return %c0_i32, %c0_i32_0 : i32, i32
  }
  func.func @transform_16(%arg0: i32) -> (i32, i32) {
    %c0_i32 = arith.constant 0 : i32
    %c0_i32_0 = arith.constant 0 : i32
    %c0_i32_1 = arith.constant 0 : i32
    return %c0_i32, %c0_i32_0 : i32, i32
  }
  func.func @transform_17(%arg0: i32) -> (i32, i32) {
    %c0_i32 = arith.constant 0 : i32
    %c0_i32_0 = arith.constant 0 : i32
    %c0_i32_1 = arith.constant 0 : i32
    return %c0_i32, %c0_i32_0 : i32, i32
  }
  func.func @transform_18(%arg0: i32) -> (i32, i32) {
    %c0_i32 = arith.constant 0 : i32
    %c0_i32_0 = arith.constant 0 : i32
    %c0_i32_1 = arith.constant 0 : i32
    return %c0_i32, %c0_i32_0 : i32, i32
  }
  func.func @transform_19(%arg0: i32) -> (i32, i32) {
    %c0_i32 = arith.constant 0 : i32
    %c0_i32_0 = arith.constant 0 : i32
    %c0_i32_1 = arith.constant 0 : i32
    return %c0_i32, %c0_i32_0 : i32, i32
  }
  func.func @transform_20(%arg0: i32) -> (i32, i32) {
    %c0_i32 = arith.constant 0 : i32
    %c0_i32_0 = arith.constant 0 : i32
    %c0_i32_1 = arith.constant 0 : i32
    return %c0_i32, %c0_i32_0 : i32, i32
  }
  func.func @transform_21(%arg0: i32) -> (i32, i32) {
    %c0_i32 = arith.constant 0 : i32
    %c0_i32_0 = arith.constant 0 : i32
    return %arg0, %c0_i32 : i32, i32
  }
  func.func @transform_22(%arg0: i32) -> (i32, i32) {
    %c0_i32 = arith.constant 0 : i32
    %c0_i32_0 = arith.constant 0 : i32
    %c0_i32_1 = arith.constant 0 : i32
    return %c0_i32, %c0_i32_0 : i32, i32
  }
}

</mosaic_0001>

<sc_bundles>
// kernel: kernel.10.cloned.1.call-start
scs
__scs_entry_jumppad:
0x0: {  	(pc) =	sbr.rel $0x88, $3  }
0x1: {  	(tag) =	ssettag $0x0;
	lr =	simm.s32 $0x1  }
0x2: {  	[smem:$0x3F8A] =	sst lr;
	_ =	strace $0xD0000000  }
0x3: {  	_ = 	snop  }
0x4: {  	_ = 	snop  }
0x5: {  	_ = 	snop  }
0x6: {  	_ = 	snop  }
0x7: {  	_ = 	snop  }
__scs_overlays_trampoline_lowered:
0x8: {  	[smem:$0x3F99] =	sst s0  }
0x9: {  	[smem:$0x3F9A] =	sst s1  }
0xa: {  	[smem:$0x3F9B] =	sst s2  }
0xb: {  	[smem:$0x3F9C] =	sst s3  }
0xc: {  	[smem:$0x3F9D] =	sst s4  }
0xd: {  	[smem:$0x3F9E] =	sst s5  }
0xe: {  	[smem:$0x3F9F] =	sst s6  }
0xf: {  	[smem:$0x3FA0] =	sst s7  }
0x10: {  	[smem:$0x3FA1] =	sst s8  }
0x11: {  	[smem:$0x3FA2] =	sst s9;
	s0 =	simm.s32 @!p0 $0x0  }
0x12: {  	s1 =	sld [smem:$0x3F88];
	s0 =	simm.s32 @p0 $0x1  }
0x13: {  	[smem:$0x3FA3] =	sst s0;
	s0 =	simm.s32 @!p1 $0x0  }
0x14: {  	s2 =	sld [smem:$0x3F87];
	s0 =	simm.s32 @p1 $0x1  }
0x15: {  	[smem:$0x3FA4] =	sst s0;
	s0 =	simm.s32 @!p2 $0x0  }
0x16: {  	s3 =	sld [smem:$0x3FDB];
	s0 =	simm.s32 @p2 $0x1  }
0x17: {  	s4 =	simm.s32 $0x1BF5;
	[smem:$0x3FA6] =	sst s0  }
0x18: {  	s0 =	sld [smem:$0x3F89];
	_ =	swait.ge [sflag:s4], $0x0  }
0x19: {  	s7 =	sld [smem:$0x3F8A]  }
0x1a: {  	s8 =	sadd.s32 $0xFFFFE003, lr  }
0x1b: {  	s9 =	sadd.s32 $0xFFFFFEF7, lr;
	s5 =	simm.s32 $0xFFFFFFFF;
	p2 =	slt.u32 s8, $0xFFFFF086  }
0x1c: {  	p1 =	slt.u32 s9, $0xF7A;
	s5 =	simm.s32 @!p2 $0x0  }
0x1d: {  	s5 =	simm.s32 @p1 $0x1;
	p0 =	seq.s32 s7, s2  }
0x1e: {  	s7 =	smul.u32 @!p0 $0xF7A, s2;
	p2 =	seq.s32 @!p0 s5, $0x0  }
0x1f: {  	s9 =	smul.u32 $0xF7A, s1;
	s8 =	simm.s32 @!p0 $0x1BF5;
	p2 =	por !p2, p0  }
0x20: {  	[sflag:s8] =	ssyncset.s32 @!p0 $0xFFFFF086;
	s6 =	sadd.s32 @!p0 s3, s7;
	s7 =	simm.s32 @!p0 $0x108  }
0x21: {  	s3 =	sadd.s32 s3, s9;
	s6 =	sadd.s32 @!p0 $0x88, s6;
	s7 =	simm.s32 @p2 $0x1082  }
0x22: {  	[simem:s7], [sflag:s8] =	dma.local @!p0 [hbm:s6], $0xF7A  }
0x23: {  	s9 =	sor.u32 $0xD0000000, s2;
	s6 =	simm.s32 $0x108;
	_ =	swait.ge @!p0 [sflag:s8], $0x0  }
0x24: {  	s3 =	sadd.s32 $0x88, s3;
	s6 =	simm.s32 @!p1 $0x1082;
	[sflag:s4] =	ssyncset.s32 $0xFFFFF086  }
0x25: {  	[simem:s6], [sflag:s4] =	dma.local [hbm:s3], $0xF7A  }
0x26: {  	[smem:$0x3F8A] =	sst s1;
	(tag) =	ssettag s2;
	_ =	strace s9  }
0x27: {  	s1 =	sld [smem:$0x3F9A]  }
0x28: {  	s2 =	sld [smem:$0x3F9B]  }
0x29: {  	s4 =	sld [smem:$0x3F9D]  }
0x2a: {  	p0 =	seq.s32 s5, $0x0;
	s5 =	sld [smem:$0x3F9E]  }
0x2b: {  	s6 =	sld [smem:$0x3F9F]  }
0x2c: {  	s7 =	sld [smem:$0x3FA0]  }
0x2d: {  	s3 =	simm.s32 $0x108;
	s8 =	sld [smem:$0x3FA1]  }
0x2e: {  	s3 =	simm.s32 @!p0 $0x1082;
	s9 =	sld [smem:$0x3FA2]  }
0x2f: {  	lr =	sadd.s32 s0, s3;
	s0 =	sld [smem:$0x3F99]  }
0x30: {  	s3 =	sld [smem:$0x3F9C]  }
0x31: {  	[smem:$0x3FA5] =	sst s10  }
0x32: {  	s10 =	sld [smem:$0x3FA3];
	_ =	sdelay $0x3  }
0x33: {  	p0 =	seq.s32 s10, $0x1;
	s10 =	sld [smem:$0x3FA5];
	_ =	sdelay $0x3  }
0x34: {  	[smem:$0x3FA5] =	sst s10  }
0x35: {  	s10 =	sld [smem:$0x3FA4];
	_ =	sdelay $0x3  }
0x36: {  	p1 =	seq.s32 s10, $0x1;
	s10 =	sld [smem:$0x3FA5];
	_ =	sdelay $0x3  }
0x37: {  	[smem:$0x3FA5] =	sst s10  }
0x38: {  	s10 =	sld [smem:$0x3FA6]  }
0x39: {  	_ = 	snop;
	(pc) =	sbr.ind lr, $3  }
0x3a: {  	_ = 	snop  }
0x3b: {  	_ = 	snop  }
0x3c: {  	p2 =	seq.s32 s10, $0x1;
	s10 =	sld [smem:$0x3FA5]  }
0x3d: {  	_ =	shalt  }
0x3e: {  	_ =	shalt  }
0x3f: {  	_ =	shalt  }
0x40: {  	_ =	shalt  }
0x41: {  	_ =	shalt  }
0x42: {  	_ =	shalt  }
0x43: {  	_ =	shalt  }
0x44: {  	_ =	shalt  }
0x45: {  	_ =	shalt  }
0x46: {  	_ =	shalt  }
0x47: {  	_ =	shalt  }
0x48: {  	_ =	shalt  }
0x49: {  	_ =	shalt  }
0x4a: {  	_ =	shalt  }
0x4b: {  	_ =	shalt  }
0x4c: {  	_ =	shalt  }
0x4d: {  	_ =	shalt  }
0x4e: {  	_ =	shalt  }
0x4f: {  	_ =	shalt  }
0x50: {  	_ =	shalt  }
0x51: {  	_ =	shalt  }
0x52: {  	_ =	shalt  }
0x53: {  	_ =	shalt  }
0x54: {  	_ =	shalt  }
0x55: {  	_ =	shalt  }
0x56: {  	_ =	shalt  }
0x57: {  	_ =	shalt  }
0x58: {  	_ =	shalt  }
0x59: {  	_ =	shalt  }
0x5a: {  	_ =	shalt  }
0x5b: {  	_ =	shalt  }
0x5c: {  	_ =	shalt  }
0x5d: {  	_ =	shalt  }
0x5e: {  	_ =	shalt  }
0x5f: {  	_ =	shalt  }
0x60: {  	_ =	shalt  }
0x61: {  	_ =	shalt  }
0x62: {  	_ =	shalt  }
0x63: {  	_ =	shalt  }
0x64: {  	_ =	shalt  }
0x65: {  	_ =	shalt  }
0x66: {  	_ =	shalt  }
0x67: {  	_ =	shalt  }
0x68: {  	_ =	shalt  }
0x69: {  	_ =	shalt  }
0x6a: {  	_ =	shalt  }
0x6b: {  	_ =	shalt  }
0x6c: {  	_ =	shalt  }
0x6d: {  	_ =	shalt  }
0x6e: {  	_ =	shalt  }
0x6f: {  	_ =	shalt  }
0x70: {  	_ =	shalt  }
0x71: {  	_ =	shalt  }
0x72: {  	_ =	shalt  }
0x73: {  	_ =	shalt  }
0x74: {  	_ =	shalt  }
0x75: {  	_ =	shalt  }
0x76: {  	_ =	shalt  }
0x77: {  	_ =	shalt  }
0x78: {  	_ =	shalt  }
0x79: {  	_ =	shalt  }
0x7a: {  	_ =	shalt  }
0x7b: {  	_ =	shalt  }
0x7c: {  	_ =	shalt  }
0x7d: {  	_ =	shalt  }
0x7e: {  	_ =	shalt  }
0x7f: {  	_ =	shalt  }
0x80: {  	_ =	shalt  }
0x81: {  	_ =	shalt  }
0x82: {  	_ =	shalt  }
0x83: {  	_ =	shalt  }
0x84: {  	_ =	shalt  }
0x85: {  	_ =	shalt  }
0x86: {  	_ =	shalt  }
0x87: {  	_ =	shalt  }
.Lfunc_end0:
.L_simem_size_0:
called_computation.1_lowered:
.L_overlay_start_0:
0x88: {  	s2 =	sld [smem:$0x3FD9]  }
0x89: {  	s3 =	sld [smem:$0x3FFE];
	_ =	sdelay $0x1  }
0x8a: {  	s1 =	srdreg.scid  }
0x8b: {  	s0 =	sand.u32 $0x1, s1  }
0x8c: {  	s14 =	sshll.u32 s0, $0xA;
	s2 =	sadd.s32 s3, s2  }
0x8d: {  	s2 =	sadd.s32 s2, s14  }
0x8e: {  	[smem:$0x3FB1] =	sst s2  }
0x8f: {  	_ = 	snop  }
0x90: {  	s2 =	sld [smem:$0x3FD0];
	_ =	sdelay $0x2  }
0x91: {  	s15 =	simm.s32 $0xA;
	s4 =	simm.s32 $0x10  }
0x92: {  	[smem:s4], [sflag:s15] =	dma.local [hbm:s2], $0x1  }
0x93: {  	_ =	swait.eq [sflag:s15], $0x1  }
0x94: {  	[sflag:s15] =	ssyncset.done $0x0  }
0x95: {  	s16 =	sld [smem:$0x11];
	[sflag:s15] =	ssyncadd.s32 $0xFFFFFFFF  }
0x96: {  	s17 =	sld [smem:$0x12];
	(tm) =	ssettm $0x1  }
0x97: {  	s18 =	sld [smem:$0x3FFB];
	_ =	sdelay $0x3  }
0x98: {  	_ =	strace s18  }
0x99: {  	s4 =	sld [smem:$0x3FFC];
	_ =	sdelay $0x3  }
0x9a: {  	_ =	strace s4  }
0x9b: {  	s4 =	sld [smem:$0x3FFD];
	_ =	sdelay $0x3  }
0x9c: {  	_ =	strace s4  }
0x9d: {  	_ =	strace $0x8FFFFFFF  }
0x9e: {  	s19 =	sld [smem:$0x3FDB];
	_ =	sdelay $0x1  }
0x9f: {  	s5 =	simm.s32 $_scs_section_size  }
0xa0: {  	s6 =	simm.s32 $_size__tile_overlayer_lowered;
	s7 =	simm.s32 $_tile_overlayer_lowered  }
0xa1: {  	s22 =	simm.s32 $0x1BFF;
	s21 =	sshll.u32 s7, $0x1;
	s4 =	sadd.s32 s5, s19  }
0xa2: {  	s8 =	simm.s32 $0x0;
	s20 =	sshll.u32 s6, $0x1;
	s6 =	sadd.s32 s21, s4  }
0xa3: {  	[timem:s8], [sflag:s22] =	dma.local [hbm:s6], s20  }
0xa4: {  	_ =	swait.ge [sflag:s22], s20  }
0xa5: {  	s5 =	ssub.s32 $0x0, s20;
	[sflag:s22] =	ssyncset.done $0x0  }
0xa6: {  	[sflag:s22] =	ssyncadd.s32 s5;
	_ =	sdelay $0x1  }
0xa7: {  	s23 =	simm.s32 $0x1B8B  }
0xa8: {  	_ =	swait.ge [sflag:s23], $0x1  }
0xa9: {  	[sflag:s23] =	ssyncset.done $0x0  }
0xaa: {  	s25 =	simm.s32 $0x1B8E;
	s24 =	sld [smem:$0x3FFE];
	[sflag:s23] =	ssyncadd.s32 $0xFFFFFFFF  }
0xab: {  	s26 =	simm.s32 $execute0_lowered;
	[smem:$0x3FD2] =	sst s25  }
0xac: {  	s6 =	sshll.u32 s26, $0x1;
	_ =	strace $0x80000049;
	[dreg:$0x1] =	wrdreg $0xFFFFFFFF  }
0xad: {  	s28 =	simm.s32 $_size_execute0_lowered;
	s4 =	sadd.s32 s4, s6;
	[dreg:$0x0] =	wrdreg $0x0  }
0xae: {  	s6 =	sshll.u32 s28, $0x1;
	[dreg:$0x2] =	wrdreg s4  }
0xaf: {  	[dreg:$0x3] =	wrdreg s6  }
0xb0: {  	[dreg:$0x4] =	wrdreg $0xC0  }
0xb1: {  	_ =	task [dreg:s8], $0x5FFFF  }
0xb2: {  	[dreg:$0x1] =	wrdreg $0xFFFFFFFF  }
0xb3: {  	[dreg:$0x0] =	wrdreg $0x60  }
0xb4: {  	[dreg:$0x2] =	wrdreg s16  }
0xb5: {  	[dreg:$0x3] =	wrdreg s24  }
0xb6: {  	[dreg:$0x4] =	wrdreg s17  }
0xb7: {  	[dreg:$0x5] =	wrdreg $0x82000  }
0xb8: {  	[dreg:$0x6] =	wrdreg $0x1BA800  }
0xb9: {  	[dreg:$0x7] =	wrdreg $0x9  }
0xba: {  	_ =	task.clear_ibuf [dreg:s8], $0x8FFFF;
	_ =	strace $0x90000049  }
0xbb: {  	s29 =	simm.s32 $0x9;
	_ =	strace $0x8000004B  }
0xbc: {  	_ =	swait.ge [sflag:s29], $0x1  }
0xbd: {  	[sflag:s29] =	ssyncadd.s32 $0xFFFFFFFF  }
0xbe: {  	_ =	strace $0x9000004B  }
0xbf: {  	_ =	sfence  }
0xc0: {  	s30 =	sld [smem:$0x0];
	_ =	sdelay $0x2  }
0xc1: {  	s31 =	sshll.u32 s1, $0xD;
	s1 =	sshrl.u32 s1, $0x2  }
0xc2: {  	s3 =	sand.u32 $0x4000, s31;
	s1 =	sadd.s32 s1, s30  }
0xc3: {  	s0 =	sor.u32 s3, s0;
	s1 =	sshll.u32 s1, $0x11  }
0xc4: {  	s0 =	sor.u32 s1, s0  }
0xc5: {  	s0 =	sadd.s32 $0x8F2B, s0  }
0xc6: {  	[sflag:s0] =	ssyncadd.remote.s32 $0x1  }
0xc7: {  	_ =	sfence.sel $0xFFFF  }
0xc8: {  	[dreg:$0x0] =	wrdreg $0xFFFFFFFF;
	(pc) =	sbr.abs _section_cstart, $3  }
0xc9: {  	[dreg:$0x1] =	wrdreg $0xFFFFFFFF  }
0xca: {  	_ =	task.clear_ibuf [dreg:s8], $0x2FFFF;
	_ =	strace $0x9FFFFFFF  }
0xcb: {  	(tm) =	ssettm $0x7FFFFFFF  }
tec
execute0_lowered:
.L_overlay_start_1:
0x0: {  	(tag) =	ssettag $0x1  }
0x1: {  	s14 =	rddreg [dreg:$0x0]  }
0x2: {  	s7 =	rddreg [dreg:$0x1]  }
0x3: {  	s1 =	rddreg [dreg:$0x2]  }
0x4: {  	s3 =	rddreg [dreg:$0x3]  }
0x5: {  	s4 =	rddreg [dreg:$0x4];
	s5 =	srdreg.scid  }
0x6: {  	s0 =	rddreg [dreg:$0x5];
	s2 =	stileid.u32  }
0x7: {  	s15 =	sand.u32 $0x1, s5;
	s5 =	simm.s32 $0x0;
	s25 =	smul.u32 $0x3E80, s2  }
0x8: {  	s6 =	sshll.u32 s2, $0x6;
	s9 =	smul.u32 $0x7D000, s2;
	p2 =	slt.u32 s2, $0xA  }
0x9: {  	s16 =	sshll.u32 s2, $0x1;
	p4 =	seq.s32 s2, $0xA;
	s30 =	sshll.u32 s2, $0xD  }
0xa: {  	s8 =	sshll.u32 s15, $0x5;
	[smem:$0x7FF] =	sst s5;
	s26 =	ssub.s32 $0x2, s15  }
0xb: {  	p1 =	seq.s32 s15, $0x0;
	p3 =	seq.s32 s15, $0x1;
	s14 =	sadd.s32 s30, s14  }
0xc: {  	s31 =	sshll.u32 s15, $0xC;
	s15 =	sor.u32 s15, s16;
	s10 =	sor.u32 s8, s6  }
0xd: {  	_ =	strace $0x8000004A;
	s12 =	sadd.s32 s25, s7;
	s13 =	sshrl.u32 s26, $0x1  }
0xe: {  	p0 =	por !p1, !p2;
	s28 =	sshrl.u32 s9, $0x2;
	s17 =	simm.s32 @!p3 $0x0  }
0xf: {  	p2 =	por !p2, !p3;
	p1 =	por !p1, !p4;
	s14 =	sadd.s32 s31, s14  }
0x10: {  	s6 =	sand.u32 $0x380, s10;
	s13 =	ssub.s32 s26, s13;
	p0 =	por !p0, !p0  }
0x11: {  	s8 =	sadd.s32 s28, s3;
	s9 =	sadd.s32 $0x38E00, s12;
	s17 =	simm.s32 @p3 $0x1  }
0x12: {  	s10 =	sand.u32 $0x60, s10;
	p3 =	por !p2, !p2;
	p1 =	por !p1, !p1  }
0x13: {  	s11 =	sadd.s32 s6, s7;
	s6 =	sadd.s32 $0x11C00, s7;
	s7 =	sadd.s32 $0x87200, s7  }
0x14: {  	[smem:$0x7FB] =	sst s17;
	s17 =	simm.s32 @!p4 $0x0;
	p6 =	por !p1, p3  }
0x15: {  	s17 =	simm.s32 @p4 $0x1;
	s29 =	sadd.s32 s10, s11;
	s10 =	sadd.s32 $0x60000, s12  }
0x16: {  	s11 =	smax.u32 s13, $0x1;
	p4 =	seq.s32 s2, $0x1;
	[smem:$0x7FC] =	sst s17  }
0x17: {  	s12 =	sadd.s32 $0x7600, s29;
	p2 =	sne.s32 @!p4 s2, $0x0;
	s16 =	simm.s32 @!p4 $0x0  }
0x18: {  	s13 =	sadd.s32 $0xA4CE00, s29;
	p5 =	por p2, p4;
	s16 =	simm.s32 @p4 $0x1  }
0x19: {  	[smem:$0x7FD] =	sst s16;
	s16 =	sshrl.u32 @p4 s4, $0x3;
	s17 =	sshrl.u32 @!p5 s3, $0x3  }
.LBB2_1:
0x1a: {  	s18 =	sld [smem:$0x7FD];
	_ =	sdelay $0x2  }
0x1b: {  	p1 =	seq.s32 s18, $0x1  }
0x1c: {  	s18 =	simm.s32 @p1 $0x1C42  }
0x1d: {  	[spmem:s16], [sflag:s18] =	dma.local @p1 [hbm:s6], $0x400  }
0x1e: {  	s18 =	simm.s32 @p1 $0x2  }
0x1f: {  	_ =	swait.ge @p1 [sflag:s18], $0x400  }
0x20: {  	[sflag:s18] =	ssyncset.done @p1 $0x0  }
0x21: {  	[sflag:s18] =	ssyncadd.s32 @p1 $0xFFFFFC00;
	s18 =	simm.s32 @!p5 $0x1C02  }
0x22: {  	[spmem:s17], [sflag:s18] =	dma.local @!p5 [hbm:s6], $0x27100  }
0x23: {  	s18 =	simm.s32 @!p5 $0x2  }
0x24: {  	_ =	swait.ge @!p5 [sflag:s18], $0x27100  }
0x25: {  	p1 =	sgt.u32 s15, $0x4E1;
	[sflag:s18] =	ssyncset.done @!p5 $0x0  }
0x26: {  	s19 =	simm.s32 @!p1 $0x0;
	s20 =	simm.s32 @!p1 $0x8000;
	[sflag:s18] =	ssyncadd.s32 @!p5 $0xFFFD8F00  }
0x27: {  	s21 =	simm.s32 @!p1 $0x3;
	s18 =	sadd.s32 @!p1 $0x0, s12;
	[bflag:$0x0] =	sbarrier.arrive $0xFFFF  }
0x28: {  	[tilespmem:s20], [sflag:$0x3] =	stream.linear.gather @!p1 [hbm4b:s18+s19], $0x100, $0x38;
	[tilespmem:$0x1BC80] =	vst v63  }
0x29: {  	_ =	swait.ge @!p1 [sflag:s21], $0x100  }
0x2a: {  	[sflag:s21] =	ssyncset.done @!p1 $0x0  }
0x2b: {  	s22 =	simm.s32 @!p1 $0x8100;
	s18 =	sadd.s32 @!p1 $0x0, s13;
	[sflag:s21] =	ssyncadd.s32 @!p1 $0xFFFFFF00  }
0x2c: {  	[tilespmem:s22], [sflag:$0x3] =	stream.linear.gather @!p1 [hbm4b:s18+s19], $0x100, $0x38;
	[tilespmem:$0x1BC80] =	vst v63  }
0x2d: {  	_ =	swait.ge @!p1 [sflag:s21], $0x100;
	p1 =	por p1, p1  }
0x2e: {  	[sflag:s21] =	ssyncset.done @!p1 $0x0  }
0x2f: {  	s18 =	simm.s32 @!p1 $0x1;
	[sflag:s21] =	ssyncadd.s32 @!p1 $0xFFFFFF00  }
0x30: {  	[tilespmem:s19], [sflag:$0x1] =	stream.linear.gather @!p1 [hbm4b:s14+s19], $0x8000, $0x38;
	[tilespmem:$0x1BC80] =	vst v63  }
0x31: {  	_ =	swait.ge @!p1 [sflag:s18], $0x8000  }
0x32: {  	[sflag:s18] =	ssyncset.done @!p1 $0x0  }
0x33: {  	s23 =	simm.s32 @!p1 $0x80;
	[sflag:s18] =	ssyncadd.s32 @!p1 $0xFFFF8000  }
0x34: {  	[spmem:s3] =	stream.indirect.scatter.add.f32 @!p1 [tilespmem:s19], [sflag:$0x3], $0x80, s20, s23, $0xb8;
	[tilespmem:$0x1BC80] =	vst v63  }
0x35: {  	_ =	swait.ge @!p1 [sflag:s21], $0x4000  }
0x36: {  	[sflag:s21] =	ssyncset.done @!p1 $0x0  }
0x37: {  	[sflag:s21] =	ssyncadd.s32 @!p1 $0xFFFFC000  }
0x38: {  	[spmem:s4] =	stream.indirect.scatter.add.f32 @!p1 [tilespmem:s19], [sflag:$0x3], $0x80, s22, s23, $0xb8;
	[tilespmem:$0x1BC80] =	vst v63  }
0x39: {  	_ =	swait.ge @!p1 [sflag:s21], $0x4000  }
0x3a: {  	[sflag:s21] =	ssyncset.done @!p1 $0x0  }
0x3b: {  	s18 =	simm.s32 @!p1 $0x8080;
	s20 =	simm.s32 @!p1 $0x4000;
	[sflag:s21] =	ssyncadd.s32 @!p1 $0xFFFFC000  }
0x3c: {  	[spmem:s3] =	stream.indirect.scatter.add.f32 @!p1 [tilespmem:s20], [sflag:$0x3], $0x80, s18, s23, $0xb8;
	[tilespmem:$0x1BC80] =	vst v63  }
0x3d: {  	_ =	swait.ge @!p1 [sflag:s21], $0x4000  }
0x3e: {  	[sflag:s21] =	ssyncset.done @!p1 $0x0  }
0x3f: {  	s19 =	simm.s32 $0x400;
	s18 =	simm.s32 @!p1 $0x8180;
	[sflag:s21] =	ssyncadd.s32 @!p1 $0xFFFFC000  }
0x40: {  	[spmem:s4] =	stream.indirect.scatter.add.f32 @!p1 [tilespmem:s20], [sflag:$0x2], $0x80, s18, s23, $0xb8;
	[tilespmem:$0x1BC80] =	vst v63  }
0x41: {  	s22 =	simm.s32 @!p1 $0x2;
	s21 =	sadd.s32 $0x20, s15;
	s20 =	simm.s32 $0x800  }
0x42: {  	p4 =	sgt.u32 s21, $0x4E1;
	s18 =	sadd.s32 $0x20000, s14;
	_ =	swait.ge @!p1 [sflag:s22], $0x4000  }
.LBB2_2:
0x43: {  	s23 =	sadd.s32 @!p4 s19, s12;
	s24 =	simm.s32 @!p4 $0x0;
	[sflag:s22] =	ssyncset.done @!p1 $0x0  }
0x44: {  	s25 =	simm.s32 @!p4 $0x8000;
	s26 =	simm.s32 @!p4 $0x3;
	[sflag:s22] =	ssyncadd.s32 @!p1 $0xFFFFC000  }
0x45: {  	[tilespmem:s25], [sflag:$0x3] =	stream.linear.gather @!p4 [hbm4b:s23+s24], $0x100, $0x38;
	[tilespmem:$0x1BC80] =	vst v63  }
0x46: {  	s22 =	smov.u32 s20;
	s20 =	sadd.s32 $0x400, s20;
	_ =	swait.ge @!p4 [sflag:s26], $0x100  }
0x47: {  	s28 =	simm.s32 @!p4 $0x8100;
	s23 =	sadd.s32 @!p4 s19, s13;
	[sflag:s26] =	ssyncset.done @!p4 $0x0  }
0x48: {  	p2 =	sne.s32 s20, $0xA000;
	s19 =	smov.u32 s22;
	[sflag:s26] =	ssyncadd.s32 @!p4 $0xFFFFFF00  }
0x49: {  	[tilespmem:s28], [sflag:$0x3] =	stream.linear.gather @!p4 [hbm4b:s23+s24], $0x100, $0x38;
	[tilespmem:$0x1BC80] =	vst v63  }
0x4a: {  	p1 =	por p4, p4;
	_ =	swait.ge @!p4 [sflag:s26], $0x100  }
0x4b: {  	[sflag:s26] =	ssyncset.done @!p1 $0x0  }
0x4c: {  	s22 =	simm.s32 @!p1 $0x1;
	[sflag:s26] =	ssyncadd.s32 @!p1 $0xFFFFFF00  }
0x4d: {  	[tilespmem:s24], [sflag:$0x1] =	stream.linear.gather @!p1 [hbm4b:s18+s24], $0x8000, $0x38;
	[tilespmem:$0x1BC80] =	vst v63  }
0x4e: {  	_ =	swait.ge @!p1 [sflag:s22], $0x8000  }
0x4f: {  	s23 =	simm.s32 @!p1 $0x80;
	[sflag:s22] =	ssyncset.done @!p1 $0x0  }
0x50: {  	[sflag:s22] =	ssyncadd.s32 @!p1 $0xFFFF8000  }
0x51: {  	[spmem:s3] =	stream.indirect.scatter.add.f32 @!p1 [tilespmem:s24], [sflag:$0x3], $0x80, s25, s23, $0xb8;
	[tilespmem:$0x1BC80] =	vst v63  }
0x52: {  	_ =	swait.ge @!p1 [sflag:s26], $0x4000  }
0x53: {  	[sflag:s26] =	ssyncset.done @!p1 $0x0  }
0x54: {  	[sflag:s26] =	ssyncadd.s32 @!p1 $0xFFFFC000  }
0x55: {  	[spmem:s4] =	stream.indirect.scatter.add.f32 @!p1 [tilespmem:s24], [sflag:$0x3], $0x80, s28, s23, $0xb8;
	[tilespmem:$0x1BC80] =	vst v63  }
0x56: {  	_ =	swait.ge @!p1 [sflag:s26], $0x4000  }
0x57: {  	s22 =	simm.s32 @!p1 $0x8080;
	s24 =	simm.s32 @!p1 $0x4000;
	[sflag:s26] =	ssyncset.done @!p1 $0x0  }
0x58: {  	[sflag:s26] =	ssyncadd.s32 @!p1 $0xFFFFC000  }
0x59: {  	[spmem:s3] =	stream.indirect.scatter.add.f32 @!p1 [tilespmem:s24], [sflag:$0x3], $0x80, s22, s23, $0xb8;
	[tilespmem:$0x1BC80] =	vst v63  }
.Ltmp0:
0x5a: {  	_ =	swait.ge @!p1 [sflag:s26], $0x4000;
	(pc) =	sbr.rel @p2 .LBB2_2-.Ltmp0, $4  }
0x5b: {  	s25 =	simm.s32 @!p1 $0x8180;
	[sflag:s26] =	ssyncset.done @!p1 $0x0  }
0x5c: {  	s21 =	sadd.s32 $0x20, s21;
	s22 =	simm.s32 @!p1 $0x2;
	[sflag:s26] =	ssyncadd.s32 @!p1 $0xFFFFC000  }
0x5d: {  	[spmem:s4] =	stream.indirect.scatter.add.f32 @!p1 [tilespmem:s24], [sflag:$0x2], $0x80, s25, s23, $0xb8;
	[tilespmem:$0x1BC80] =	vst v63  }
0x5e: {  	p4 =	sgt.u32 s21, $0x4E1;
	s18 =	sadd.s32 $0x20000, s18;
	_ =	swait.ge @!p1 [sflag:s22], $0x4000  }
0x5f: {  	s20 =	sadd.s32 @!p4 s19, s12;
	s21 =	simm.s32 @!p4 $0x0;
	[sflag:s22] =	ssyncset.done @!p1 $0x0  }
0x60: {  	s23 =	simm.s32 @!p4 $0x8000;
	s24 =	simm.s32 @!p4 $0x3;
	[sflag:s22] =	ssyncadd.s32 @!p1 $0xFFFFC000  }
0x61: {  	[tilespmem:s23], [sflag:$0x3] =	stream.linear.gather @!p4 [hbm4b:s20+s21], $0x100, $0x38;
	[tilespmem:$0x1BC80] =	vst v63  }
0x62: {  	_ =	swait.ge @!p4 [sflag:s24], $0x100  }
0x63: {  	[sflag:s24] =	ssyncset.done @!p4 $0x0  }
0x64: {  	s19 =	sadd.s32 @!p4 s19, s13;
	s20 =	simm.s32 @!p4 $0x8100;
	[sflag:s24] =	ssyncadd.s32 @!p4 $0xFFFFFF00  }
0x65: {  	[tilespmem:s20], [sflag:$0x3] =	stream.linear.gather @!p4 [hbm4b:s19+s21], $0x100, $0x38;
	[tilespmem:$0x1BC80] =	vst v63  }
0x66: {  	p1 =	por p4, p4;
	_ =	swait.ge @!p4 [sflag:s24], $0x100  }
0x67: {  	[sflag:s24] =	ssyncset.done @!p1 $0x0  }
0x68: {  	s19 =	simm.s32 @!p1 $0x1;
	[sflag:s24] =	ssyncadd.s32 @!p1 $0xFFFFFF00  }
0x69: {  	[tilespmem:s21], [sflag:$0x1] =	stream.linear.gather @!p1 [hbm4b:s18+s21], $0x8000, $0x38;
	[tilespmem:$0x1BC80] =	vst v63  }
0x6a: {  	_ =	swait.ge @!p1 [sflag:s19], $0x8000  }
0x6b: {  	[sflag:s19] =	ssyncset.done @!p1 $0x0  }
0x6c: {  	s18 =	simm.s32 @!p1 $0x80;
	[sflag:s19] =	ssyncadd.s32 @!p1 $0xFFFF8000  }
0x6d: {  	[spmem:s3] =	stream.indirect.scatter.add.f32 @!p1 [tilespmem:s21], [sflag:$0x3], $0x80, s23, s18, $0xb8;
	[tilespmem:$0x1BC80] =	vst v63  }
0x6e: {  	_ =	swait.ge @!p1 [sflag:s24], $0x4000  }
0x6f: {  	[sflag:s24] =	ssyncset.done @!p1 $0x0  }
0x70: {  	[sflag:s24] =	ssyncadd.s32 @!p1 $0xFFFFC000  }
0x71: {  	[spmem:s4] =	stream.indirect.scatter.add.f32 @!p1 [tilespmem:s21], [sflag:$0x3], $0x80, s20, s18, $0xb8;
	[tilespmem:$0x1BC80] =	vst v63  }
0x72: {  	_ =	swait.ge @!p1 [sflag:s24], $0x4000  }
0x73: {  	[sflag:s24] =	ssyncset.done @!p1 $0x0  }
0x74: {  	s19 =	simm.s32 @!p1 $0x8080;
	s20 =	simm.s32 @!p1 $0x4000;
	[sflag:s24] =	ssyncadd.s32 @!p1 $0xFFFFC000  }
0x75: {  	[spmem:s3] =	stream.indirect.scatter.add.f32 @!p1 [tilespmem:s20], [sflag:$0x3], $0x80, s19, s18, $0xb8;
	[tilespmem:$0x1BC80] =	vst v63  }
0x76: {  	_ =	swait.ge @!p1 [sflag:s24], $0x4000  }
0x77: {  	[sflag:s24] =	ssyncset.done @!p1 $0x0  }
0x78: {  	s21 =	simm.s32 @!p1 $0x2;
	s19 =	simm.s32 @!p1 $0x8180;
	[sflag:s24] =	ssyncadd.s32 @!p1 $0xFFFFC000  }
0x79: {  	[spmem:s4] =	stream.indirect.scatter.add.f32 @!p1 [tilespmem:s20], [sflag:$0x2], $0x80, s19, s18, $0xb8;
	[tilespmem:$0x1BC80] =	vst v63  }
0x7a: {  	_ =	swait.ge @!p1 [sflag:s21], $0x4000  }
0x7b: {  	[sflag:s21] =	ssyncset.done @!p1 $0x0  }
0x7c: {  	s18 =	sshll.u32 @p0 s2, $0x6;
	[sflag:s21] =	ssyncadd.s32 @!p1 $0xFFFFC000  }
0x7d: {  	s19 =	sshrl.u32 @p0 s8, $0x3;
	s18 =	sor.u32 @p0 $0x1C02, s18;
	[bflag:$0x0] =	sbarrier.arrive $0xFFFF  }
0x7e: {  	[hbm:s9], [sflag:s18] =	dma.local @p0 [spmem:s19], $0x3E80  }
0x7f: {  	s18 =	simm.s32 @p0 $0x2  }
0x80: {  	_ =	swait.ge @p0 [sflag:s18], $0x3E80  }
0x81: {  	[sflag:s18] =	ssyncset.done @p0 $0x0  }
0x82: {  	s19 =	simm.s32 @!p6 $0x1E82;
	[sflag:s18] =	ssyncadd.s32 @p0 $0xFFFFC180;
	s18 =	sshrl.u32 @!p6 s4, $0x3  }
0x83: {  	[hbm:s1], [sflag:s19] =	dma.local @!p6 [spmem:s18], $0x400  }
0x84: {  	s18 =	sld [smem:$0x7FC]  }
0x85: {  	s31 =	sld [smem:$0x7FB];
	_ =	sdelay $0x1  }
0x86: {  	p1 =	por @!p6 $0x1, $0x1;
	p2 =	seq.s32 s18, $0x1  }
0x87: {  	p2 =	por @!p6 p1, p1;
	p1 =	seq.s32 s31, $0x1  }
0x88: {  	p1 =	por @!p3 !p2, !p1  }
0x89: {  	s18 =	simm.s32 @!p6 $0x2;
	p1 =	por @!p3 !p1, !p1  }
0x8a: {  	_ =	swait.ge @!p6 [sflag:s18], $0x400;
	p1 =	por !p1, p3  }
0x8b: {  	[sflag:s18] =	ssyncset.done @!p6 $0x0;
	s19 =	sshll.u32 @!p1 s2, $0x6  }
0x8c: {  	[sflag:s18] =	ssyncadd.s32 @!p6 $0xFFFFFC00;
	s18 =	sor.u32 @!p1 $0x1C02, s19;
	s19 =	sshrl.u32 @!p1 s4, $0x3  }
0x8d: {  	[hbm:s7], [sflag:s18] =	dma.local @!p1 [spmem:s19], $0x400  }
0x8e: {  	s18 =	simm.s32 @!p1 $0x2  }
0x8f: {  	_ =	swait.ge @!p1 [sflag:s18], $0x400  }
0x90: {  	[sflag:s18] =	ssyncset.done @!p1 $0x0  }
0x91: {  	s5 =	sadd.s32 $0x1, s5;
	s19 =	sshll.u32 @p3 s2, $0x6;
	[sflag:s18] =	ssyncadd.s32 @!p1 $0xFFFFFC00  }
0x92: {  	s18 =	sor.u32 @p3 $0x1C02, s19;
	s19 =	sshrl.u32 @p3 s8, $0x3;
	p1 =	sne.s32 s5, s11  }
0x93: {  	[hbm:s10], [sflag:s18] =	dma.local @p3 [spmem:s19], $0x3E80  }
.Ltmp1:
0x94: {  	_ = 	snop;
	(pc) =	sbr.rel @p1 .LBB2_1-.Ltmp1, $4  }
0x95: {  	s18 =	simm.s32 @p3 $0x2  }
0x96: {  	_ =	swait.ge @p3 [sflag:s18], $0x3E80  }
0x97: {  	[sflag:s18] =	ssyncset.done @p3 $0x0  }
0x98: {  	[sflag:s18] =	ssyncadd.s32 @p3 $0xFFFFC180  }
0x99: {  	_ =	sfence.sel $0x180000  }
0x9a: {  	[bflag:$0x0] =	sbarrier.arrive $0xFFFF  }
0x9b: {  	p0 =	sne.s32 s2, $0x0;
	_ =	strace $0x9000004A  }
0x9c: {  	s0 =	sadd.s32 @!p0 $0x100000, s0;
	[bflag:$0x2] =	sbarrier.arrive $0xFFFF  }
0x9d: {  	[sflag:s0] =	ssyncadd.tile.s32 @!p0 $0x1;
	_ =	shalt  }
.Lfunc_end2:
_tile_overlayer_lowered:
.L_overlay_start_2:
0x9e: {  	(tag) =	ssettag $0x2  }
0x9f: {  	s0 =	rddreg [dreg:$0x0];
	s2 =	stileid.u32  }
0xa0: {  	s1 =	rddreg [dreg:$0x1];
	p0 =	sne.s32 s2, $0x0  }
0xa1: {  	s3 =	rddreg [dreg:$0x2];
	[bflag:$0x3] =	sbarrier.arrive $0xFFFF;
	s2 =	simm.s32 @!p0 $0x1C02  }
0xa2: {  	[timem:s3], [sflag:s2] =	dma.local @!p0 [hbm:s0], s1  }
0xa3: {  	s0 =	simm.s32 @!p0 $0x2  }
0xa4: {  	_ =	swait.ge @!p0 [sflag:s0], s1  }
0xa5: {  	s1 =	ssub.s32 @!p0 $0x0, s1;
	[sflag:s0] =	ssyncset.done @!p0 $0x0  }
0xa6: {  	[sflag:s0] =	ssyncadd.s32 @!p0 s1  }
0xa7: {  	[bflag:$0x3] =	sbarrier.arrive $0xFFFF  }
0xa8: {  	_ =	shalt  }

// kernel: kernel.7.cloned.1.call-start
scs
__scs_entry_jumppad:
0x0: {  	(pc) =	sbr.rel $0x88, $3  }
0x1: {  	(tag) =	ssettag $0x0;
	lr =	simm.s32 $0x1  }
0x2: {  	[smem:$0x3F8A] =	sst lr;
	_ =	strace $0xD0000000  }
0x3: {  	_ = 	snop  }
0x4: {  	_ = 	snop  }
0x5: {  	_ = 	snop  }
0x6: {  	_ = 	snop  }
0x7: {  	_ = 	snop  }
__scs_overlays_trampoline_lowered:
0x8: {  	[smem:$0x3F99] =	sst s0  }
0x9: {  	[smem:$0x3F9A] =	sst s1  }
0xa: {  	[smem:$0x3F9B] =	sst s2  }
0xb: {  	[smem:$0x3F9C] =	sst s3  }
0xc: {  	[smem:$0x3F9D] =	sst s4  }
0xd: {  	[smem:$0x3F9E] =	sst s5  }
0xe: {  	[smem:$0x3F9F] =	sst s6  }
0xf: {  	[smem:$0x3FA0] =	sst s7  }
0x10: {  	[smem:$0x3FA1] =	sst s8  }
0x11: {  	[smem:$0x3FA2] =	sst s9;
	s0 =	simm.s32 @!p0 $0x0  }
0x12: {  	s1 =	sld [smem:$0x3F88];
	s0 =	simm.s32 @p0 $0x1  }
0x13: {  	[smem:$0x3FA3] =	sst s0;
	s0 =	simm.s32 @!p1 $0x0  }
0x14: {  	s2 =	sld [smem:$0x3F87];
	s0 =	simm.s32 @p1 $0x1  }
0x15: {  	[smem:$0x3FA4] =	sst s0;
	s0 =	simm.s32 @!p2 $0x0  }
0x16: {  	s3 =	sld [smem:$0x3FDB];
	s0 =	simm.s32 @p2 $0x1  }
0x17: {  	s4 =	simm.s32 $0x1BF5;
	[smem:$0x3FA6] =	sst s0  }
0x18: {  	s0 =	sld [smem:$0x3F89];
	_ =	swait.ge [sflag:s4], $0x0  }
0x19: {  	s7 =	sld [smem:$0x3F8A]  }
0x1a: {  	s8 =	sadd.s32 $0xFFFFE003, lr  }
0x1b: {  	s9 =	sadd.s32 $0xFFFFFEF7, lr;
	s5 =	simm.s32 $0xFFFFFFFF;
	p2 =	slt.u32 s8, $0xFFFFF086  }
0x1c: {  	p1 =	slt.u32 s9, $0xF7A;
	s5 =	simm.s32 @!p2 $0x0  }
0x1d: {  	s5 =	simm.s32 @p1 $0x1;
	p0 =	seq.s32 s7, s2  }
0x1e: {  	s7 =	smul.u32 @!p0 $0xF7A, s2;
	p2 =	seq.s32 @!p0 s5, $0x0  }
0x1f: {  	s9 =	smul.u32 $0xF7A, s1;
	s8 =	simm.s32 @!p0 $0x1BF5;
	p2 =	por !p2, p0  }
0x20: {  	[sflag:s8] =	ssyncset.s32 @!p0 $0xFFFFF086;
	s6 =	sadd.s32 @!p0 s3, s7;
	s7 =	simm.s32 @!p0 $0x108  }
0x21: {  	s3 =	sadd.s32 s3, s9;
	s6 =	sadd.s32 @!p0 $0x88, s6;
	s7 =	simm.s32 @p2 $0x1082  }
0x22: {  	[simem:s7], [sflag:s8] =	dma.local @!p0 [hbm:s6], $0xF7A  }
0x23: {  	s9 =	sor.u32 $0xD0000000, s2;
	s6 =	simm.s32 $0x108;
	_ =	swait.ge @!p0 [sflag:s8], $0x0  }
0x24: {  	s3 =	sadd.s32 $0x88, s3;
	s6 =	simm.s32 @!p1 $0x1082;
	[sflag:s4] =	ssyncset.s32 $0xFFFFF086  }
0x25: {  	[simem:s6], [sflag:s4] =	dma.local [hbm:s3], $0xF7A  }
0x26: {  	[smem:$0x3F8A] =	sst s1;
	(tag) =	ssettag s2;
	_ =	strace s9  }
0x27: {  	s1 =	sld [smem:$0x3F9A]  }
0x28: {  	s2 =	sld [smem:$0x3F9B]  }
0x29: {  	s4 =	sld [smem:$0x3F9D]  }
0x2a: {  	p0 =	seq.s32 s5, $0x0;
	s5 =	sld [smem:$0x3F9E]  }
0x2b: {  	s6 =	sld [smem:$0x3F9F]  }
0x2c: {  	s7 =	sld [smem:$0x3FA0]  }
0x2d: {  	s3 =	simm.s32 $0x108;
	s8 =	sld [smem:$0x3FA1]  }
0x2e: {  	s3 =	simm.s32 @!p0 $0x1082;
	s9 =	sld [smem:$0x3FA2]  }
0x2f: {  	lr =	sadd.s32 s0, s3;
	s0 =	sld [smem:$0x3F99]  }
0x30: {  	s3 =	sld [smem:$0x3F9C]  }
0x31: {  	[smem:$0x3FA5] =	sst s10  }
0x32: {  	s10 =	sld [smem:$0x3FA3];
	_ =	sdelay $0x3  }
0x33: {  	p0 =	seq.s32 s10, $0x1;
	s10 =	sld [smem:$0x3FA5];
	_ =	sdelay $0x3  }
0x34: {  	[smem:$0x3FA5] =	sst s10  }
0x35: {  	s10 =	sld [smem:$0x3FA4];
	_ =	sdelay $0x3  }
0x36: {  	p1 =	seq.s32 s10, $0x1;
	s10 =	sld [smem:$0x3FA5];
	_ =	sdelay $0x3  }
0x37: {  	[smem:$0x3FA5] =	sst s10  }
0x38: {  	s10 =	sld [smem:$0x3FA6]  }
0x39: {  	_ = 	snop;
	(pc) =	sbr.ind lr, $3  }
0x3a: {  	_ = 	snop  }
0x3b: {  	_ = 	snop  }
0x3c: {  	p2 =	seq.s32 s10, $0x1;
	s10 =	sld [smem:$0x3FA5]  }
0x3d: {  	_ =	shalt  }
0x3e: {  	_ =	shalt  }
0x3f: {  	_ =	shalt  }
0x40: {  	_ =	shalt  }
0x41: {  	_ =	shalt  }
0x42: {  	_ =	shalt  }
0x43: {  	_ =	shalt  }
0x44: {  	_ =	shalt  }
0x45: {  	_ =	shalt  }
0x46: {  	_ =	shalt  }
0x47: {  	_ =	shalt  }
0x48: {  	_ =	shalt  }
0x49: {  	_ =	shalt  }
0x4a: {  	_ =	shalt  }
0x4b: {  	_ =	shalt  }
0x4c: {  	_ =	shalt  }
0x4d: {  	_ =	shalt  }
0x4e: {  	_ =	shalt  }
0x4f: {  	_ =	shalt  }
0x50: {  	_ =	shalt  }
0x51: {  	_ =	shalt  }
0x52: {  	_ =	shalt  }
0x53: {  	_ =	shalt  }
0x54: {  	_ =	shalt  }
0x55: {  	_ =	shalt  }
0x56: {  	_ =	shalt  }
0x57: {  	_ =	shalt  }
0x58: {  	_ =	shalt  }
0x59: {  	_ =	shalt  }
0x5a: {  	_ =	shalt  }
0x5b: {  	_ =	shalt  }
0x5c: {  	_ =	shalt  }
0x5d: {  	_ =	shalt  }
0x5e: {  	_ =	shalt  }
0x5f: {  	_ =	shalt  }
0x60: {  	_ =	shalt  }
0x61: {  	_ =	shalt  }
0x62: {  	_ =	shalt  }
0x63: {  	_ =	shalt  }
0x64: {  	_ =	shalt  }
0x65: {  	_ =	shalt  }
0x66: {  	_ =	shalt  }
0x67: {  	_ =	shalt  }
0x68: {  	_ =	shalt  }
0x69: {  	_ =	shalt  }
0x6a: {  	_ =	shalt  }
0x6b: {  	_ =	shalt  }
0x6c: {  	_ =	shalt  }
0x6d: {  	_ =	shalt  }
0x6e: {  	_ =	shalt  }
0x6f: {  	_ =	shalt  }
0x70: {  	_ =	shalt  }
0x71: {  	_ =	shalt  }
0x72: {  	_ =	shalt  }
0x73: {  	_ =	shalt  }
0x74: {  	_ =	shalt  }
0x75: {  	_ =	shalt  }
0x76: {  	_ =	shalt  }
0x77: {  	_ =	shalt  }
0x78: {  	_ =	shalt  }
0x79: {  	_ =	shalt  }
0x7a: {  	_ =	shalt  }
0x7b: {  	_ =	shalt  }
0x7c: {  	_ =	shalt  }
0x7d: {  	_ =	shalt  }
0x7e: {  	_ =	shalt  }
0x7f: {  	_ =	shalt  }
0x80: {  	_ =	shalt  }
0x81: {  	_ =	shalt  }
0x82: {  	_ =	shalt  }
0x83: {  	_ =	shalt  }
0x84: {  	_ =	shalt  }
0x85: {  	_ =	shalt  }
0x86: {  	_ =	shalt  }
0x87: {  	_ =	shalt  }
.Lfunc_end0:
.L_simem_size_0:
called_computation_lowered:
.L_overlay_start_0:
0x88: {  	s2 =	sld [smem:$0x3FD9]  }
0x89: {  	s3 =	sld [smem:$0x3FFE];
	_ =	sdelay $0x1  }
0x8a: {  	s1 =	srdreg.scid  }
0x8b: {  	s0 =	sand.u32 $0x1, s1  }
0x8c: {  	s14 =	sshll.u32 s0, $0xA;
	s2 =	sadd.s32 s3, s2  }
0x8d: {  	s2 =	sadd.s32 s2, s14  }
0x8e: {  	[smem:$0x3FB1] =	sst s2  }
0x8f: {  	_ = 	snop  }
0x90: {  	s2 =	sld [smem:$0x3FD0];
	_ =	sdelay $0x2  }
0x91: {  	s4 =	simm.s32 $0xA;
	s5 =	simm.s32 $0x10;
	s15 =	sld [smem:$0x3FC5]  }
0x92: {  	[smem:s5], [sflag:s4] =	dma.local [hbm:s2], $0x1  }
0x93: {  	_ =	swait.eq [sflag:s4], $0x1  }
0x94: {  	[sflag:s4] =	ssyncset.done $0x0  }
0x95: {  	[sflag:s4] =	ssyncadd.s32 $0xFFFFFFFF  }
0x96: {  	s16 =	sld [smem:$0x11];
	(tm) =	ssettm $0x1  }
0x97: {  	s17 =	sld [smem:$0x3FFB];
	_ =	sdelay $0x3  }
0x98: {  	_ =	strace s17  }
0x99: {  	s4 =	sld [smem:$0x3FFC];
	_ =	sdelay $0x3  }
0x9a: {  	_ =	strace s4  }
0x9b: {  	s4 =	sld [smem:$0x3FFD];
	_ =	sdelay $0x3  }
0x9c: {  	_ =	strace s4  }
0x9d: {  	_ =	strace $0x8FFFFFFF  }
0x9e: {  	s18 =	sld [smem:$0x3FDB];
	_ =	sdelay $0x1  }
0x9f: {  	s19 =	simm.s32 $_scs_section_size  }
0xa0: {  	s6 =	simm.s32 $_size__tile_overlayer_lowered;
	s7 =	simm.s32 $_tile_overlayer_lowered  }
0xa1: {  	s22 =	simm.s32 $0x1BFF;
	s21 =	sshll.u32 s7, $0x1;
	s4 =	sadd.s32 s19, s18  }
0xa2: {  	s8 =	simm.s32 $0x0;
	s20 =	sshll.u32 s6, $0x1;
	s6 =	sadd.s32 s21, s4  }
0xa3: {  	[timem:s8], [sflag:s22] =	dma.local [hbm:s6], s20  }
0xa4: {  	_ =	swait.ge [sflag:s22], s20  }
0xa5: {  	s5 =	ssub.s32 $0x0, s20;
	[sflag:s22] =	ssyncset.done $0x0  }
0xa6: {  	[sflag:s22] =	ssyncadd.s32 s5;
	_ =	sdelay $0x1  }
0xa7: {  	s23 =	simm.s32 $0x1B8B  }
0xa8: {  	_ =	swait.ge [sflag:s23], $0x1  }
0xa9: {  	[sflag:s23] =	ssyncset.done $0x0  }
0xaa: {  	s25 =	simm.s32 $0x1B8E;
	s24 =	sld [smem:$0x3FFE];
	[sflag:s23] =	ssyncadd.s32 $0xFFFFFFFF  }
0xab: {  	s26 =	simm.s32 $execute0_lowered;
	[smem:$0x3FD2] =	sst s25  }
0xac: {  	s6 =	sshll.u32 s26, $0x1;
	_ =	strace $0x80000046;
	[dreg:$0x1] =	wrdreg $0xFFFFFFFF  }
0xad: {  	s28 =	simm.s32 $_size_execute0_lowered;
	s4 =	sadd.s32 s4, s6;
	[dreg:$0x0] =	wrdreg $0x0  }
0xae: {  	s6 =	sshll.u32 s28, $0x1;
	[dreg:$0x2] =	wrdreg s4  }
0xaf: {  	[dreg:$0x3] =	wrdreg s6  }
0xb0: {  	[dreg:$0x4] =	wrdreg $0xC0  }
0xb1: {  	_ =	task [dreg:s8], $0x5FFFF  }
0xb2: {  	[dreg:$0x1] =	wrdreg $0xFFFFFFFF  }
0xb3: {  	[dreg:$0x0] =	wrdreg $0x60  }
0xb4: {  	[dreg:$0x2] =	wrdreg s16  }
0xb5: {  	[dreg:$0x3] =	wrdreg s24  }
0xb6: {  	[dreg:$0x4] =	wrdreg s15  }
0xb7: {  	[dreg:$0x5] =	wrdreg $0x9  }
0xb8: {  	_ =	task.clear_ibuf [dreg:s8], $0x6FFFF;
	_ =	strace $0x90000046  }
0xb9: {  	s29 =	simm.s32 $0x9;
	_ =	strace $0x80000048  }
0xba: {  	_ =	swait.ge [sflag:s29], $0x1  }
0xbb: {  	[sflag:s29] =	ssyncadd.s32 $0xFFFFFFFF  }
0xbc: {  	_ =	strace $0x90000048  }
0xbd: {  	_ =	sfence  }
0xbe: {  	s30 =	sld [smem:$0x0];
	_ =	sdelay $0x2  }
0xbf: {  	s31 =	sshll.u32 s1, $0xD;
	s1 =	sshrl.u32 s1, $0x2  }
0xc0: {  	s3 =	sand.u32 $0x4000, s31;
	s1 =	sadd.s32 s1, s30  }
0xc1: {  	s0 =	sor.u32 s3, s0;
	s1 =	sshll.u32 s1, $0x11  }
0xc2: {  	s0 =	sor.u32 s1, s0  }
0xc3: {  	s0 =	sadd.s32 $0x8F2B, s0  }
0xc4: {  	[sflag:s0] =	ssyncadd.remote.s32 $0x1  }
0xc5: {  	_ =	sfence.sel $0xFFFF  }
0xc6: {  	[dreg:$0x0] =	wrdreg $0xFFFFFFFF;
	(pc) =	sbr.abs _section_cstart, $3  }
0xc7: {  	[dreg:$0x1] =	wrdreg $0xFFFFFFFF  }
0xc8: {  	_ =	task.clear_ibuf [dreg:s8], $0x2FFFF;
	_ =	strace $0x9FFFFFFF  }
0xc9: {  	(tm) =	ssettm $0x7FFFFFFF  }
tec
execute0_lowered:
.L_overlay_start_1:
0x0: {  	(tag) =	ssettag $0x1  }
0x1: {  	s1 =	rddreg [dreg:$0x0]  }
0x2: {  	s6 =	rddreg [dreg:$0x1]  }
0x3: {  	s3 =	rddreg [dreg:$0x2];
	s5 =	srdreg.scid  }
0x4: {  	s4 =	simm.s32 $0x0;
	s2 =	stileid.u32;
	s14 =	simm.s32 $0x100  }
0x5: {  	s15 =	simm.s32 $0x80;
	s16 =	simm.s32 $0x200;
	s17 =	simm.s32 $0x4200  }
0x6: {  	s18 =	simm.s32 $0x8200;
	s19 =	simm.s32 $0x180;
	s20 =	simm.s32 $0xC200  }
0x7: {  	s21 =	simm.s32 $0x1;
	s22 =	simm.s32 $0x10200;
	s23 =	simm.s32 $0x2  }
0x8: {  	s24 =	simm.s32 $0x0;
	s8 =	sand.u32 $0x1, s5;
	[smem:$0x7FF] =	sst s4  }
0x9: {  	s7 =	sshll.u32 s2, $0x6;
	s5 =	sadd.s32 $0x25C00, s6;
	s26 =	sshll.u32 s2, $0xD  }
0xa: {  	s9 =	sshll.u32 s8, $0x5;
	_ =	strace $0x80000047;
	s11 =	ssub.s32 $0x2, s8  }
0xb: {  	s13 =	sadd.s32 s26, s6;
	s30 =	sshll.u32 s8, $0xC;
	s7 =	sor.u32 s9, s7  }
0xc: {  	s12 =	sshrl.u32 s11, $0x1;
	s31 =	sadd.s32 s30, s13;
	s13 =	simm.s32 $0x3  }
0xd: {  	s10 =	sand.u32 $0x380, s7;
	s7 =	sand.u32 $0x60, s7;
	s28 =	ssub.s32 s11, s12  }
0xe: {  	s11 =	sadd.s32 $0x4CE00, s31;
	s12 =	simm.s32 $0x10300;
	s10 =	sadd.s32 s10, s6  }
0xf: {  	s6 =	smax.u32 s28, $0x1;
	s29 =	sadd.s32 s7, s10;
	s10 =	sadd.s32 $0x54CE00, s31  }
0x10: {  	s7 =	sadd.s32 $0x1BC00, s29;
	s8 =	sadd.s32 $0x11C00, s29;
	s9 =	sadd.s32 $0xA4CE00, s29  }
.LBB2_1:
0x11: {  	[tilespmem:s12], [sflag:$0x3] =	stream.linear.gather [hbm4b:s3+s4], $0x2780, $0x38;
	[tilespmem:$0x12A80] =	vst v63  }
0x12: {  	_ =	swait.ge [sflag:s13], $0x2780  }
0x13: {  	[sflag:s13] =	ssyncset.done $0x0  }
0x14: {  	s25 =	sadd.s32 $0x0, s7;
	[sflag:s13] =	ssyncadd.s32 $0xFFFFD880  }
0x15: {  	[tilespmem:s4], [sflag:$0x3] =	stream.linear.gather [hbm4b:s25+s4], $0x100, $0x38;
	[tilespmem:$0x12A80] =	vst v63  }
0x16: {  	_ =	swait.ge [sflag:s13], $0x100  }
0x17: {  	[sflag:s13] =	ssyncset.done $0x0  }
0x18: {  	s29 =	sadd.s32 $0x0, s8;
	[sflag:s13] =	ssyncadd.s32 $0xFFFFFF00  }
0x19: {  	[tilespmem:s14], [sflag:$0x3] =	stream.linear.gather [hbm4b:s29+s4], $0x100, $0x38;
	[tilespmem:$0x12A80] =	vst v63  }
0x1a: {  	_ =	swait.ge [sflag:s13], $0x100  }
0x1b: {  	[sflag:s13] =	ssyncset.done $0x0  }
0x1c: {  	[sflag:s13] =	ssyncadd.s32 $0xFFFFFF00  }
0x1d: {  	[tilespmem:s16], [sflag:$0x1] =	stream.indirect.gather [hbm4b:s1+s15], $0x80, s4, s15, $0xb8;
	[tilespmem:$0x12A80] =	vst v63  }
0x1e: {  	_ = 	snop  }
0x1f: {  	[tilespmem:s17], [sflag:$0x1] =	stream.indirect.gather [hbm4b:s1+s15], $0x80, s15, s15, $0xb8;
	[tilespmem:$0x12A80] =	vst v63  }
0x20: {  	_ = 	snop  }
0x21: {  	[tilespmem:s18], [sflag:$0x1] =	stream.indirect.gather [hbm4b:s5+s15], $0x80, s14, s15, $0xb8;
	[tilespmem:$0x12A80] =	vst v63  }
0x22: {  	_ = 	snop  }
0x23: {  	[tilespmem:s20], [sflag:$0x1] =	stream.indirect.gather [hbm4b:s5+s15], $0x80, s19, s15, $0xb8;
	[tilespmem:$0x12A80] =	vst v63  }
0x24: {  	v0 =	vld [tilespmem:$0x0];
	_ =	sdelay $0x5  }
0x25: {  	v1 =	vld [tilespmem:$0x10];
	_ =	sdelay $0x1  }
0x26: {  	v0 =	vld.idx.msk [tilespmem:v0+s12+$0x0], $0xffff;
	_ =	sdelay $0x3  }
0x27: {  	v2 =	vld [tilespmem:$0x20]  }
0x28: {  	[tilespmem:$0x10200] =	vst v0  }
0x29: {  	v0 =	vld.idx.msk [tilespmem:v1+s12+$0x0], $0xffff;
	_ =	sdelay $0x3  }
0x2a: {  	v51 =	vld [tilespmem:$0x30]  }
0x2b: {  	[tilespmem:$0x10210] =	vst v0  }
0x2c: {  	v0 =	vld.idx.msk [tilespmem:v2+s12+$0x0], $0xffff;
	_ =	sdelay $0x3  }
0x2d: {  	v52 =	vld [tilespmem:$0x40]  }
0x2e: {  	[tilespmem:$0x10220] =	vst v0  }
0x2f: {  	v0 =	vld.idx.msk [tilespmem:v51+s12+$0x0], $0xffff;
	_ =	sdelay $0x3  }
0x30: {  	v53 =	vld [tilespmem:$0x50]  }
0x31: {  	[tilespmem:$0x10230] =	vst v0  }
0x32: {  	v0 =	vld.idx.msk [tilespmem:v52+s12+$0x0], $0xffff;
	_ =	sdelay $0x3  }
0x33: {  	v54 =	vld [tilespmem:$0x60]  }
0x34: {  	[tilespmem:$0x10240] =	vst v0  }
0x35: {  	v0 =	vld.idx.msk [tilespmem:v53+s12+$0x0], $0xffff;
	_ =	sdelay $0x3  }
0x36: {  	v55 =	vld [tilespmem:$0x70]  }
0x37: {  	[tilespmem:$0x10250] =	vst v0  }
0x38: {  	v0 =	vld.idx.msk [tilespmem:v54+s12+$0x0], $0xffff;
	_ =	sdelay $0x3  }
0x39: {  	v56 =	vld [tilespmem:$0x80]  }
0x3a: {  	[tilespmem:$0x10260] =	vst v0  }
0x3b: {  	v0 =	vld.idx.msk [tilespmem:v55+s12+$0x0], $0xffff;
	_ =	sdelay $0x3  }
0x3c: {  	v57 =	vld [tilespmem:$0x90]  }
0x3d: {  	[tilespmem:$0x10270] =	vst v0  }
0x3e: {  	v0 =	vld.idx.msk [tilespmem:v56+s12+$0x0], $0xffff;
	_ =	sdelay $0x3  }
0x3f: {  	v58 =	vld [tilespmem:$0xA0]  }
0x40: {  	[tilespmem:$0x10280] =	vst v0  }
0x41: {  	v0 =	vld.idx.msk [tilespmem:v57+s12+$0x0], $0xffff;
	_ =	sdelay $0x3  }
0x42: {  	v59 =	vld [tilespmem:$0xB0]  }
0x43: {  	[tilespmem:$0x10290] =	vst v0  }
0x44: {  	v0 =	vld.idx.msk [tilespmem:v58+s12+$0x0], $0xffff;
	_ =	sdelay $0x3  }
0x45: {  	v60 =	vld [tilespmem:$0xC0]  }
0x46: {  	[tilespmem:$0x102A0] =	vst v0  }
0x47: {  	v0 =	vld.idx.msk [tilespmem:v59+s12+$0x0], $0xffff;
	_ =	sdelay $0x3  }
0x48: {  	v61 =	vld [tilespmem:$0xD0]  }
0x49: {  	[tilespmem:$0x102B0] =	vst v0  }
0x4a: {  	v0 =	vld.idx.msk [tilespmem:v60+s12+$0x0], $0xffff;
	_ =	sdelay $0x3  }
0x4b: {  	v62 =	vld [tilespmem:$0xE0]  }
0x4c: {  	[tilespmem:$0x102C0] =	vst v0  }
0x4d: {  	v0 =	vld.idx.msk [tilespmem:v61+s12+$0x0], $0xffff;
	_ =	sdelay $0x3  }
0x4e: {  	v63 =	vld [tilespmem:$0xF0]  }
0x4f: {  	[tilespmem:$0x102D0] =	vst v0  }
0x50: {  	v0 =	vld.idx.msk [tilespmem:v62+s12+$0x0], $0xffff;
	_ =	sdelay $0x4  }
0x51: {  	[tilespmem:$0x102E0] =	vst v0  }
0x52: {  	v0 =	vld.idx.msk [tilespmem:v63+s12+$0x0], $0xffff;
	_ =	sdelay $0x4  }
0x53: {  	[tilespmem:$0x102F0] =	vst v0  }
0x54: {  	_ =	swait.ge [sflag:s21], $0x4000  }
0x55: {  	[sflag:s21] =	ssyncset.done $0x0  }
0x56: {  	[sflag:s21] =	ssyncadd.s32 $0xFFFFC000  }
0x57: {  	_ =	swait.ge [sflag:s21], $0x4000  }
0x58: {  	[sflag:s21] =	ssyncset.done $0x0  }
0x59: {  	[sflag:s21] =	ssyncadd.s32 $0xFFFFC000  }
0x5a: {  	[hbm4b:s11+s4] =	stream.linear.scatter [tilespmem:s16], [sflag:$0x2], $0x8000, $0x38;
	[tilespmem:$0x12A80] =	vst v63  }
0x5b: {  	_ =	swait.ge [sflag:s21], $0x4000  }
0x5c: {  	[sflag:s21] =	ssyncset.done $0x0  }
0x5d: {  	[sflag:s21] =	ssyncadd.s32 $0xFFFFC000  }
0x5e: {  	_ =	swait.ge [sflag:s21], $0x4000  }
0x5f: {  	[sflag:s21] =	ssyncset.done $0x0  }
0x60: {  	[sflag:s21] =	ssyncadd.s32 $0xFFFFC000  }
0x61: {  	[hbm4b:s10+s4] =	stream.linear.scatter [tilespmem:s18], [sflag:$0x2], $0x8000, $0x38;
	[tilespmem:$0x12A80] =	vst v63  }
0x62: {  	s30 =	sadd.s32 $0x0, s9  }
0x63: {  	[hbm4b:s30+s4] =	stream.linear.scatter [tilespmem:s22], [sflag:$0x3], $0x100, $0x38;
	[tilespmem:$0x12A80] =	vst v63  }
0x64: {  	_ =	swait.ge [sflag:s13], $0x100  }
0x65: {  	[sflag:s13] =	ssyncset.done $0x0  }
0x66: {  	[sflag:s13] =	ssyncadd.s32 $0xFFFFFF00  }
0x67: {  	_ =	swait.ge [sflag:s23], $0x8000  }
0x68: {  	[sflag:s23] =	ssyncset.done $0x0  }
0x69: {  	[sflag:s23] =	ssyncadd.s32 $0xFFFF8000  }
0x6a: {  	s31 =	simm.s32 $0x800;
	s26 =	sadd.s32 $0x20000, s10;
	_ =	swait.ge [sflag:s23], $0x8000  }
0x6b: {  	s28 =	sadd.s32 $0x20000, s11;
	s25 =	simm.s32 $0x400;
	[sflag:s23] =	ssyncset.done $0x0  }
.LBB2_2:
0x6c: {  	s0 =	sadd.s32 s25, s7  }
0x6d: {  	[sflag:s23] =	ssyncadd.s32 $0xFFFF8000;
	s30 =	smov.u32 s31;
	s29 =	sadd.s32 $0x400, s31  }
0x6e: {  	[tilespmem:s4], [sflag:$0x3] =	stream.linear.gather [hbm4b:s0+s4], $0x100, $0x38;
	[tilespmem:$0x12A80] =	vst v63  }
0x6f: {  	p0 =	sne.s32 s31, $0x9C00;
	_ =	swait.ge [sflag:s13], $0x100  }
0x70: {  	[sflag:s13] =	ssyncset.done $0x0  }
0x71: {  	s0 =	sadd.s32 s25, s8;
	[sflag:s13] =	ssyncadd.s32 $0xFFFFFF00  }
0x72: {  	[tilespmem:s14], [sflag:$0x3] =	stream.linear.gather [hbm4b:s0+s4], $0x100, $0x38;
	[tilespmem:$0x12A80] =	vst v63  }
0x73: {  	_ =	swait.ge [sflag:s13], $0x100  }
0x74: {  	[sflag:s13] =	ssyncset.done $0x0  }
0x75: {  	[sflag:s13] =	ssyncadd.s32 $0xFFFFFF00  }
0x76: {  	[tilespmem:s16], [sflag:$0x1] =	stream.indirect.gather [hbm4b:s1+s15], $0x80, s4, s15, $0xb8;
	[tilespmem:$0x12A80] =	vst v63  }
0x77: {  	_ = 	snop  }
0x78: {  	[tilespmem:s17], [sflag:$0x1] =	stream.indirect.gather [hbm4b:s1+s15], $0x80, s15, s15, $0xb8;
	[tilespmem:$0x12A80] =	vst v63  }
0x79: {  	_ = 	snop  }
0x7a: {  	[tilespmem:s18], [sflag:$0x1] =	stream.indirect.gather [hbm4b:s5+s15], $0x80, s14, s15, $0xb8;
	[tilespmem:$0x12A80] =	vst v63  }
0x7b: {  	_ = 	snop  }
0x7c: {  	[tilespmem:s20], [sflag:$0x1] =	stream.indirect.gather [hbm4b:s5+s15], $0x80, s19, s15, $0xb8;
	[tilespmem:$0x12A80] =	vst v63  }
0x7d: {  	v0 =	vld [tilespmem:$0x0]  }
0x7e: {  	v1 =	vld [tilespmem:$0x10]  }
0x7f: {  	v2 =	vld [tilespmem:$0x20]  }
0x80: {  	v3 =	vld [tilespmem:$0x30]  }
0x81: {  	v4 =	vld [tilespmem:$0x40]  }
0x82: {  	v5 =	vld [tilespmem:$0x50]  }
0x83: {  	v6 =	vld [tilespmem:$0x60]  }
0x84: {  	v7 =	vld [tilespmem:$0x70]  }
0x85: {  	v0 =	vld.idx.msk [tilespmem:v0+s12+$0x0], $0xffff  }
0x86: {  	v8 =	vld [tilespmem:$0x80]  }
0x87: {  	v9 =	vld [tilespmem:$0x90]  }
0x88: {  	v10 =	vld [tilespmem:$0xA0]  }
0x89: {  	v11 =	vld [tilespmem:$0xB0]  }
0x8a: {  	v12 =	vld [tilespmem:$0xC0]  }
0x8b: {  	[tilespmem:$0x10200] =	vst v0;
	v0 =	vld [tilespmem:$0xD0]  }
0x8c: {  	v1 =	vld.idx.msk [tilespmem:v1+s12+$0x0], $0xffff  }
0x8d: {  	v13 =	vld [tilespmem:$0xE0]  }
0x8e: {  	v14 =	vld [tilespmem:$0xF0];
	_ =	sdelay $0x3  }
0x8f: {  	[tilespmem:$0x10210] =	vst v1  }
0x90: {  	v1 =	vld.idx.msk [tilespmem:v2+s12+$0x0], $0xffff;
	_ =	sdelay $0x5  }
0x91: {  	[tilespmem:$0x10220] =	vst v1  }
0x92: {  	v1 =	vld.idx.msk [tilespmem:v3+s12+$0x0], $0xffff;
	_ =	sdelay $0x5  }
0x93: {  	[tilespmem:$0x10230] =	vst v1  }
0x94: {  	v1 =	vld.idx.msk [tilespmem:v4+s12+$0x0], $0xffff;
	_ =	sdelay $0x5  }
0x95: {  	[tilespmem:$0x10240] =	vst v1  }
0x96: {  	v1 =	vld.idx.msk [tilespmem:v5+s12+$0x0], $0xffff;
	_ =	sdelay $0x5  }
0x97: {  	[tilespmem:$0x10250] =	vst v1  }
0x98: {  	v1 =	vld.idx.msk [tilespmem:v6+s12+$0x0], $0xffff;
	_ =	sdelay $0x5  }
0x99: {  	[tilespmem:$0x10260] =	vst v1  }
0x9a: {  	v1 =	vld.idx.msk [tilespmem:v7+s12+$0x0], $0xffff;
	_ =	sdelay $0x5  }
0x9b: {  	[tilespmem:$0x10270] =	vst v1  }
0x9c: {  	v1 =	vld.idx.msk [tilespmem:v8+s12+$0x0], $0xffff;
	_ =	sdelay $0x5  }
0x9d: {  	[tilespmem:$0x10280] =	vst v1  }
0x9e: {  	v1 =	vld.idx.msk [tilespmem:v9+s12+$0x0], $0xffff;
	_ =	sdelay $0x5  }
0x9f: {  	[tilespmem:$0x10290] =	vst v1  }
0xa0: {  	v1 =	vld.idx.msk [tilespmem:v10+s12+$0x0], $0xffff;
	_ =	sdelay $0x5  }
0xa1: {  	[tilespmem:$0x102A0] =	vst v1  }
0xa2: {  	v1 =	vld.idx.msk [tilespmem:v11+s12+$0x0], $0xffff;
	_ =	sdelay $0x5  }
0xa3: {  	[tilespmem:$0x102B0] =	vst v1  }
0xa4: {  	v1 =	vld.idx.msk [tilespmem:v12+s12+$0x0], $0xffff;
	_ =	sdelay $0x5  }
0xa5: {  	[tilespmem:$0x102C0] =	vst v1  }
0xa6: {  	v0 =	vld.idx.msk [tilespmem:v0+s12+$0x0], $0xffff;
	_ =	sdelay $0x5  }
0xa7: {  	[tilespmem:$0x102D0] =	vst v0  }
0xa8: {  	v0 =	vld.idx.msk [tilespmem:v13+s12+$0x0], $0xffff;
	_ =	sdelay $0x5  }
0xa9: {  	[tilespmem:$0x102E0] =	vst v0  }
0xaa: {  	v0 =	vld.idx.msk [tilespmem:v14+s12+$0x0], $0xffff;
	_ =	sdelay $0x5  }
0xab: {  	[tilespmem:$0x102F0] =	vst v0  }
0xac: {  	_ =	swait.ge [sflag:s21], $0x4000  }
0xad: {  	[sflag:s21] =	ssyncset.done $0x0  }
0xae: {  	[sflag:s21] =	ssyncadd.s32 $0xFFFFC000  }
0xaf: {  	_ =	swait.ge [sflag:s21], $0x4000  }
0xb0: {  	[sflag:s21] =	ssyncset.done $0x0  }
0xb1: {  	[sflag:s21] =	ssyncadd.s32 $0xFFFFC000  }
0xb2: {  	[hbm4b:s28+s4] =	stream.linear.scatter [tilespmem:s16], [sflag:$0x2], $0x8000, $0x38;
	[tilespmem:$0x12A80] =	vst v63  }
0xb3: {  	_ =	swait.ge [sflag:s21], $0x4000  }
0xb4: {  	[sflag:s21] =	ssyncset.done $0x0  }
0xb5: {  	[sflag:s21] =	ssyncadd.s32 $0xFFFFC000  }
0xb6: {  	_ =	swait.ge [sflag:s21], $0x4000  }
0xb7: {  	[sflag:s21] =	ssyncset.done $0x0  }
0xb8: {  	[sflag:s21] =	ssyncadd.s32 $0xFFFFC000  }
0xb9: {  	[hbm4b:s26+s4] =	stream.linear.scatter [tilespmem:s18], [sflag:$0x2], $0x8000, $0x38;
	[tilespmem:$0x12A80] =	vst v63  }
0xba: {  	s0 =	sadd.s32 s25, s9;
	s25 =	smov.u32 s30  }
0xbb: {  	[hbm4b:s0+s4] =	stream.linear.scatter [tilespmem:s22], [sflag:$0x3], $0x100, $0x38;
	[tilespmem:$0x12A80] =	vst v63  }
0xbc: {  	_ =	swait.ge [sflag:s13], $0x100  }
0xbd: {  	[sflag:s13] =	ssyncset.done $0x0  }
0xbe: {  	[sflag:s13] =	ssyncadd.s32 $0xFFFFFF00  }
.Ltmp0:
0xbf: {  	_ =	swait.ge [sflag:s23], $0x8000;
	(pc) =	sbr.rel @p0 .LBB2_2-.Ltmp0, $4  }
0xc0: {  	[sflag:s23] =	ssyncset.done $0x0  }
0xc1: {  	[sflag:s23] =	ssyncadd.s32 $0xFFFF8000  }
0xc2: {  	s31 =	smov.u32 s29;
	_ =	swait.ge [sflag:s23], $0x8000  }
0xc3: {  	s28 =	sadd.s32 $0x20000, s28;
	s26 =	sadd.s32 $0x20000, s26;
	[sflag:s23] =	ssyncset.done $0x0  }
0xc4: {  	s0 =	sadd.s32 s25, s7;
	[sflag:s23] =	ssyncadd.s32 $0xFFFF8000  }
0xc5: {  	[tilespmem:s4], [sflag:$0x3] =	stream.linear.gather [hbm4b:s0+s4], $0x100, $0x38;
	[tilespmem:$0x12A80] =	vst v63  }
0xc6: {  	_ =	swait.ge [sflag:s13], $0x100  }
0xc7: {  	[sflag:s13] =	ssyncset.done $0x0  }
0xc8: {  	s30 =	sadd.s32 s25, s8;
	[sflag:s13] =	ssyncadd.s32 $0xFFFFFF00  }
0xc9: {  	[tilespmem:s14], [sflag:$0x3] =	stream.linear.gather [hbm4b:s30+s4], $0x100, $0x38;
	[tilespmem:$0x12A80] =	vst v63  }
0xca: {  	_ =	swait.ge [sflag:s13], $0x100  }
0xcb: {  	[sflag:s13] =	ssyncset.done $0x0  }
0xcc: {  	[sflag:s13] =	ssyncadd.s32 $0xFFFFFF00  }
0xcd: {  	[tilespmem:s16], [sflag:$0x1] =	stream.indirect.gather [hbm4b:s1+s15], $0x80, s4, s15, $0xb8;
	[tilespmem:$0x12A80] =	vst v63  }
0xce: {  	_ = 	snop  }
0xcf: {  	[tilespmem:s17], [sflag:$0x1] =	stream.indirect.gather [hbm4b:s1+s15], $0x80, s15, s15, $0xb8;
	[tilespmem:$0x12A80] =	vst v63  }
0xd0: {  	_ = 	snop  }
0xd1: {  	[tilespmem:s18], [sflag:$0x1] =	stream.indirect.gather [hbm4b:s5+s15], $0x80, s14, s15, $0xb8;
	[tilespmem:$0x12A80] =	vst v63  }
0xd2: {  	_ = 	snop  }
0xd3: {  	[tilespmem:s20], [sflag:$0x1] =	stream.indirect.gather [hbm4b:s5+s15], $0x80, s19, s15, $0xb8;
	[tilespmem:$0x12A80] =	vst v63  }
0xd4: {  	v0 =	vld [tilespmem:$0x0];
	_ =	sdelay $0x5  }
0xd5: {  	v1 =	vld [tilespmem:$0x10];
	_ =	sdelay $0x1  }
0xd6: {  	v0 =	vld.idx.msk [tilespmem:v0+s12+$0x0], $0xffff;
	_ =	sdelay $0x3  }
0xd7: {  	v2 =	vld [tilespmem:$0x20]  }
0xd8: {  	[tilespmem:$0x10200] =	vst v0  }
0xd9: {  	v0 =	vld.idx.msk [tilespmem:v1+s12+$0x0], $0xffff;
	_ =	sdelay $0x3  }
0xda: {  	v51 =	vld [tilespmem:$0x30]  }
0xdb: {  	[tilespmem:$0x10210] =	vst v0  }
0xdc: {  	v0 =	vld.idx.msk [tilespmem:v2+s12+$0x0], $0xffff;
	_ =	sdelay $0x3  }
0xdd: {  	v52 =	vld [tilespmem:$0x40]  }
0xde: {  	[tilespmem:$0x10220] =	vst v0  }
0xdf: {  	v0 =	vld.idx.msk [tilespmem:v51+s12+$0x0], $0xffff;
	_ =	sdelay $0x3  }
0xe0: {  	v53 =	vld [tilespmem:$0x50]  }
0xe1: {  	[tilespmem:$0x10230] =	vst v0  }
0xe2: {  	v0 =	vld.idx.msk [tilespmem:v52+s12+$0x0], $0xffff;
	_ =	sdelay $0x3  }
0xe3: {  	v54 =	vld [tilespmem:$0x60]  }
0xe4: {  	[tilespmem:$0x10240] =	vst v0  }
0xe5: {  	v0 =	vld.idx.msk [tilespmem:v53+s12+$0x0], $0xffff;
	_ =	sdelay $0x3  }
0xe6: {  	v55 =	vld [tilespmem:$0x70]  }
0xe7: {  	[tilespmem:$0x10250] =	vst v0  }
0xe8: {  	v0 =	vld.idx.msk [tilespmem:v54+s12+$0x0], $0xffff;
	_ =	sdelay $0x3  }
0xe9: {  	v56 =	vld [tilespmem:$0x80]  }
0xea: {  	[tilespmem:$0x10260] =	vst v0  }
0xeb: {  	v0 =	vld.idx.msk [tilespmem:v55+s12+$0x0], $0xffff;
	_ =	sdelay $0x3  }
0xec: {  	v57 =	vld [tilespmem:$0x90]  }
0xed: {  	[tilespmem:$0x10270] =	vst v0  }
0xee: {  	v0 =	vld.idx.msk [tilespmem:v56+s12+$0x0], $0xffff;
	_ =	sdelay $0x3  }
0xef: {  	v58 =	vld [tilespmem:$0xA0]  }
0xf0: {  	[tilespmem:$0x10280] =	vst v0  }
0xf1: {  	v0 =	vld.idx.msk [tilespmem:v57+s12+$0x0], $0xffff;
	_ =	sdelay $0x3  }
0xf2: {  	v59 =	vld [tilespmem:$0xB0]  }
0xf3: {  	[tilespmem:$0x10290] =	vst v0  }
0xf4: {  	v0 =	vld.idx.msk [tilespmem:v58+s12+$0x0], $0xffff;
	_ =	sdelay $0x3  }
0xf5: {  	v60 =	vld [tilespmem:$0xC0]  }
0xf6: {  	[tilespmem:$0x102A0] =	vst v0  }
0xf7: {  	v0 =	vld.idx.msk [tilespmem:v59+s12+$0x0], $0xffff;
	_ =	sdelay $0x3  }
0xf8: {  	v61 =	vld [tilespmem:$0xD0]  }
0xf9: {  	[tilespmem:$0x102B0] =	vst v0  }
0xfa: {  	v0 =	vld.idx.msk [tilespmem:v60+s12+$0x0], $0xffff;
	_ =	sdelay $0x3  }
0xfb: {  	v62 =	vld [tilespmem:$0xE0]  }
0xfc: {  	[tilespmem:$0x102C0] =	vst v0  }
0xfd: {  	v0 =	vld.idx.msk [tilespmem:v61+s12+$0x0], $0xffff;
	_ =	sdelay $0x3  }
0xfe: {  	v63 =	vld [tilespmem:$0xF0]  }
0xff: {  	[tilespmem:$0x102D0] =	vst v0  }
0x100: {  	v0 =	vld.idx.msk [tilespmem:v62+s12+$0x0], $0xffff;
	_ =	sdelay $0x4  }
0x101: {  	[tilespmem:$0x102E0] =	vst v0  }
0x102: {  	v0 =	vld.idx.msk [tilespmem:v63+s12+$0x0], $0xffff;
	_ =	sdelay $0x4  }
0x103: {  	[tilespmem:$0x102F0] =	vst v0  }
0x104: {  	_ =	swait.ge [sflag:s21], $0x4000  }
0x105: {  	[sflag:s21] =	ssyncset.done $0x0  }
0x106: {  	[sflag:s21] =	ssyncadd.s32 $0xFFFFC000  }
0x107: {  	_ =	swait.ge [sflag:s21], $0x4000  }
0x108: {  	[sflag:s21] =	ssyncset.done $0x0  }
0x109: {  	[sflag:s21] =	ssyncadd.s32 $0xFFFFC000  }
0x10a: {  	[hbm4b:s28+s4] =	stream.linear.scatter [tilespmem:s16], [sflag:$0x2], $0x8000, $0x38;
	[tilespmem:$0x12A80] =	vst v63  }
0x10b: {  	_ =	swait.ge [sflag:s21], $0x4000  }
0x10c: {  	[sflag:s21] =	ssyncset.done $0x0  }
0x10d: {  	[sflag:s21] =	ssyncadd.s32 $0xFFFFC000  }
0x10e: {  	_ =	swait.ge [sflag:s21], $0x4000  }
0x10f: {  	[sflag:s21] =	ssyncset.done $0x0  }
0x110: {  	[sflag:s21] =	ssyncadd.s32 $0xFFFFC000  }
0x111: {  	[hbm4b:s26+s4] =	stream.linear.scatter [tilespmem:s18], [sflag:$0x2], $0x8000, $0x38;
	[tilespmem:$0x12A80] =	vst v63  }
0x112: {  	s31 =	sadd.s32 s25, s9  }
0x113: {  	[hbm4b:s31+s4] =	stream.linear.scatter [tilespmem:s22], [sflag:$0x3], $0x100, $0x38;
	[tilespmem:$0x12A80] =	vst v63  }
0x114: {  	_ =	swait.ge [sflag:s13], $0x100  }
0x115: {  	[sflag:s13] =	ssyncset.done $0x0  }
0x116: {  	s24 =	sadd.s32 $0x1, s24;
	[sflag:s13] =	ssyncadd.s32 $0xFFFFFF00  }
0x117: {  	p0 =	sne.s32 s24, s6;
	_ =	swait.ge [sflag:s23], $0x8000  }
.Ltmp1:
0x118: {  	[sflag:s23] =	ssyncset.done $0x0;
	(pc) =	sbr.rel @p0 .LBB2_1-.Ltmp1, $4  }
0x119: {  	[sflag:s23] =	ssyncadd.s32 $0xFFFF8000  }
0x11a: {  	_ =	swait.ge [sflag:s23], $0x8000  }
0x11b: {  	[sflag:s23] =	ssyncset.done $0x0  }
0x11c: {  	[sflag:s23] =	ssyncadd.s32 $0xFFFF8000  }
0x11d: {  	_ =	sfence.sel $0x180000  }
0x11e: {  	[bflag:$0x0] =	sbarrier.arrive $0xFFFF  }
0x11f: {  	_ =	strace $0x90000047  }
0x120: {  	[bflag:$0x2] =	sbarrier.arrive $0xFFFF  }
0x121: {  	p0 =	sne.s32 s2, $0x0;
	s0 =	rddreg [dreg:$0x3]  }
0x122: {  	s0 =	sadd.s32 @!p0 $0x100000, s0  }
0x123: {  	[sflag:s0] =	ssyncadd.tile.s32 @!p0 $0x1;
	_ =	shalt  }
.Lfunc_end2:
_tile_overlayer_lowered:
.L_overlay_start_2:
0x124: {  	(tag) =	ssettag $0x2  }
0x125: {  	s0 =	rddreg [dreg:$0x0];
	s2 =	stileid.u32  }
0x126: {  	s1 =	rddreg [dreg:$0x1];
	p0 =	sne.s32 s2, $0x0  }
0x127: {  	s3 =	rddreg [dreg:$0x2];
	[bflag:$0x3] =	sbarrier.arrive $0xFFFF;
	s2 =	simm.s32 @!p0 $0x1C03  }
0x128: {  	[timem:s3], [sflag:s2] =	dma.local @!p0 [hbm:s0], s1  }
0x129: {  	s0 =	simm.s32 @!p0 $0x3  }
0x12a: {  	_ =	swait.ge @!p0 [sflag:s0], s1  }
0x12b: {  	s1 =	ssub.s32 @!p0 $0x0, s1;
	[sflag:s0] =	ssyncset.done @!p0 $0x0  }
0x12c: {  	[sflag:s0] =	ssyncadd.s32 @!p0 s1  }
0x12d: {  	[bflag:$0x3] =	sbarrier.arrive $0xFFFF  }
0x12e: {  	_ =	shalt  }

</sc_bundles>
